<compile_context>
chip_gen: v7x
topology: tpu7x:2x2x1
jax: 0.10.2.dev20260603
libtpu: 0.0.44.dev20260713+nightly
codegen_flags: <defaults>
</compile_context>

<pallas_src>
import functools

import jax
import jax.numpy as jnp
from jax import lax
from jax.experimental import pallas as pl
from jax.experimental.pallas import tpu as pltpu
from jax.experimental.pallas import tpu_sc as plsc

_B, _M, _N = 16, 256, 512
_W = 8
_NP = 528
_L = 16


def _prep_body(llr_ref, llrt_ref, h_ref, hw_ref, rk_ref):
    M, N, B, W = _M, _N, _B, _W
    q_i = lax.broadcasted_iota(jnp.int32, (4 * W, M), 0)
    r_i = lax.broadcasted_iota(jnp.int32, (4 * W, M), 1)
    k = r_i - (32 * (q_i % W) + 8 * (q_i // W))
    bmat = jnp.where((k >= 0) & (k < 8), jnp.int32(1) << jnp.clip(k, 0, 7), 0)
    hb = jnp.dot(bmat.astype(jnp.float32), h_ref[...],
                 preferred_element_type=jnp.float32).astype(jnp.int32)
    hw_ref[...] = (hb[0:W] | (hb[W:2 * W] << 8) | (hb[2 * W:3 * W] << 16)
                   | (hb[3 * W:4 * W] << 24))

    iota_lane = lax.broadcasted_iota(jnp.int32, (N, N), 1)
    iota_row = lax.broadcasted_iota(jnp.int32, (N, N), 0)
    for b in range(B):
        xrow = llr_ref[b:b + 1, :]
        xcol = llrt_ref[:, b:b + 1]
        cmp = (xcol < xrow) | ((xcol == xrow) & (iota_row < iota_lane))
        rk_ref[b:b + 1, :] = jnp.sum(cmp.astype(jnp.int32), axis=0,
                                     keepdims=True)


def _sc_body(hw_hbm, synd_hbm, rk_hbm, conv_hbm, ev_hbm, oute_hbm, mi_hbm,
             ranks_v, hw_v, synd_v, conv_v, pp, ispiv_v, eperm_v, eout_v, ev_v,
             mi_v):
    W, N, L = _W, _N, _L
    wid = lax.axis_index("s") * 2 + lax.axis_index("c")
    b = wid

    @pl.when(wid < _B)
    def _():
        pltpu.sync_copy(rk_hbm.at[b], ranks_v)
        pltpu.sync_copy(hw_hbm, hw_v)
        NP = _NP
        pltpu.sync_copy(synd_hbm.at[b], synd_v)
        pltpu.sync_copy(conv_hbm, conv_v)
        pltpu.sync_copy(ev_hbm.at[b], ev_v)

        iota16 = lax.broadcasted_iota(jnp.int32, (L,), 0)

        for w in range(W):
            c0 = synd_v[pl.ds(32 * w, L)]
            c1 = synd_v[pl.ds(32 * w + L, L)]
            sww = jnp.sum(c0 << iota16) + jnp.sum(c1 << (iota16 + L))
            pp[pl.ds(w * NP + N, L)] = jnp.where(iota16 == 0, sww, 0)
        @plsc.parallel_loop(0, N // L, unroll=2)
        def _build(ci):
            c = ci * L
            rk = ranks_v[pl.ds(c, L)]
            for w in range(W):
                plsc.store_scatter(pp, [rk + w * NP],
                                   hw_v[pl.ds(w * N + c, L)])

        def _elim(j, carry):
            used = list(carry[:W])
            cnt = carry[W]
            col = [pp[pl.ds(w * _NP + j, L)][0] for w in range(W)]
            found = jnp.int32(0)
            wstar = jnp.int32(0)
            piv = [jnp.int32(0)] * W
            for w in range(W):
                avail = col[w] & ~used[w]
                sel = (avail != 0) & (found == 0)
                piv[w] = jnp.where(sel, avail & (-avail), 0)
                wstar = jnp.where(sel, jnp.int32(w), wstar)
                found = jnp.where(avail != 0, jnp.int32(1), found)
            piv_sc = piv[0]
            for w in range(1, W):
                piv_sc = piv_sc | piv[w]
            mask = [col[w] ^ piv[w] for w in range(W)]
            used = [used[w] | piv[w] for w in range(W)]
            plsc.store_scatter(ispiv_v, [jnp.full((L,), j, jnp.int32)],
                               jnp.full((L,), found, jnp.int32),
                               mask=iota16 == 0)
            piv_v = jnp.full((L,), piv_sc, jnp.int32)
            wbase = wstar * _NP

            @pl.when(found != 0)
            def _run_upd():
                @plsc.parallel_loop(j // L, _NP // L, unroll=2)
                def _upd(ci):
                    c = ci * L
                    a = [pp[pl.ds(w * _NP + c, L)] for w in range(W)]
                    tv = pp[pl.ds(wbase + c, L)]
                    hit = (tv & piv_v) != 0
                    for w in range(W):
                        pp[pl.ds(w * _NP + c, L)] = a[w] ^ jnp.where(
                            hit, jnp.full((L,), mask[w], jnp.int32), 0)
            return tuple(used) + (cnt + found,)

        carry = lax.fori_loop(0, N, _elim,
                              tuple(jnp.int32(0) for _ in range(W + 1)))
        cnt = carry[W]

        swf = [pp[pl.ds(w * NP + N, L)][0] for w in range(W)]
        @plsc.parallel_loop(0, N // L, unroll=2)
        def _ext(ci):
            c = ci * L
            acc = jnp.zeros((L,), jnp.int32)
            for w in range(W):
                hit = (pp[pl.ds(w * NP + c, L)] & jnp.full((L,), swf[w], jnp.int32)) != 0
                acc = acc | jnp.where(hit, 1, 0)
            ip = ispiv_v[pl.ds(c, L)]
            eperm_v[pl.ds(c, L)] = jnp.where(ip != 0, acc, 0)

        cb = jnp.sum(jnp.where(iota16 == b, conv_v[...], 0))
        @plsc.parallel_loop(0, N // L, unroll=2)
        def _gat(ci):
            c = ci * L
            rk = ranks_v[pl.ds(c, L)]
            vals = plsc.load_gather(eperm_v, [rk])
            ncv = jnp.full((L,), cb, jnp.int32) == 0
            eout_v[pl.ds(c, L)] = jnp.where(ncv, vals, ev_v[pl.ds(c, L)])
        pltpu.sync_copy(eout_v, oute_hbm.at[b])

        @pl.when(wid == 0)
        def _():
            any_nc = jnp.max(jnp.where(conv_v[...] == 0, 1, 0))
            mi_v[...] = jnp.full((L,), jnp.where(any_nc > 0, cnt, 0), jnp.int32)
            pltpu.sync_copy(mi_v, mi_hbm)


def kernel(synd, converge, llr, H_matrix, e_v):
    B, N = llr.shape

    hw, rk = pl.pallas_call(
        _prep_body,
        out_shape=[
            jax.ShapeDtypeStruct((_W, N), jnp.int32),
            jax.ShapeDtypeStruct((B, N), jnp.int32),
        ],
    )(llr, llr.T, H_matrix.astype(jnp.float32))

    mesh = plsc.VectorSubcoreMesh(core_axis_name="c", subcore_axis_name="s")
    sc_fn = functools.partial(
        pl.kernel, _sc_body, mesh=mesh,
        compiler_params=pltpu.CompilerParams(use_tc_tiling_on_sc=False,
                                             needs_layout_passes=False),
        out_type=[
            jax.ShapeDtypeStruct((B, N), jnp.int32),
            jax.ShapeDtypeStruct((_L,), jnp.int32),
        ],
        scratch_types=[
            pltpu.VMEM((N,), jnp.int32),
            pltpu.VMEM((_W * N,), jnp.int32),
            pltpu.VMEM((_M,), jnp.int32),
            pltpu.VMEM((_B,), jnp.int32),
            pltpu.VMEM((_W * _NP,), jnp.int32),
            pltpu.VMEM((_NP,), jnp.int32),
            pltpu.VMEM((N,), jnp.int32),
            pltpu.VMEM((N,), jnp.int32),
            pltpu.VMEM((N,), jnp.int32),
            pltpu.VMEM((_L,), jnp.int32),
        ],
    )
    oute, mi = sc_fn()(hw.reshape(-1), synd.astype(jnp.int32), rk,
                       converge.astype(jnp.int32),
                       e_v.astype(jnp.uint8).astype(jnp.int32))

    return oute.astype(jnp.uint8), mi[0], jnp.ones_like(converge)

# --- scband reference (transcript-rebuilt; emitter-appended) ---
"""Pipeline reference for scband-create-34789235098112 (READ-ONLY COPY).

The authoritative reference and input builder live on the scoring server;
editing this copy changes nothing except your own understanding.
"""

import jax, jax.numpy as jnp
import numpy as np


def setup_inputs(seed: int = 0):
    key = jax.random.key(seed)
    kH, ks, kl = jax.random.split(key, 3)
    B, M, N = 16, 256, 512
    H_matrix = jax.random.randint(kH, (M, N), 0, 2).astype(jnp.bool_)
    synd = jax.random.randint(ks, (B, M), 0, 2).astype(jnp.bool_)
    converge = jnp.zeros((B,), dtype=jnp.int32)
    llr = jax.random.normal(kl, (B, N), dtype=jnp.float32)
    e_v = jnp.zeros((B, N), dtype=jnp.int32)
    return {"synd": synd, "converge": converge, "llr": llr, "H_matrix": H_matrix, "e_v": e_v}


def _osd0_solve(H, cols_batch, synd_sub):
    # H: [M, N] uint8 (GF(2)); cols_batch: [B, N] reliability-sorted column order;
    # synd_sub: [B, M] uint8. Performs GF(2) row reduction (LU-equivalent) on the
    # column-permuted H augmented with the syndrome, then reads off the OSD-0 solution.
    M, N = H.shape
    B = cols_batch.shape[0]
    Hp = jnp.take(H, cols_batch, axis=1).transpose(1, 0, 2).astype(jnp.uint8)  # [B, M, N]
    A = jnp.concatenate([Hp, synd_sub[:, :, None].astype(jnp.uint8)], axis=2)  # [B, M, N+1]
    bidx = jnp.arange(B)
    ridx = jnp.arange(M)

    def body(j, state):
        A, piv_count, piv_row_of_col = state
        col = jax.lax.dynamic_index_in_dim(A, j, axis=2, keepdims=False)  # [B, M]
        cand = (col == 1) & (ridx[None, :] >= piv_count[:, None])
        has = jnp.any(cand, axis=1)
        prow = jnp.argmax(cand, axis=1)
        t = jnp.minimum(piv_count, M - 1)
        rowP = A[bidx, prow]
        rowT = A[bidx, t]
        A = A.at[bidx, t].set(jnp.where(has[:, None], rowP, rowT))
        A = A.at[bidx, prow].set(jnp.where(has[:, None], rowT, rowP))
        pivot_row = A[bidx, t]
        colj = jax.lax.dynamic_index_in_dim(A, j, axis=2, keepdims=False)
        mask = (colj == 1) & has[:, None]
        mask = mask.at[bidx, t].set(False)
        A = A ^ (mask[:, :, None].astype(jnp.uint8) * pivot_row[:, None, :])
        piv_row_of_col = piv_row_of_col.at[:, j].set(jnp.where(has, t, -1))
        piv_count = piv_count + has.astype(jnp.int32)
        return A, piv_count, piv_row_of_col

    A, piv_count, piv_row_of_col = jax.lax.fori_loop(
        0, N, body, (A, jnp.zeros(B, jnp.int32), -jnp.ones((B, N), jnp.int32)))
    is_piv = piv_row_of_col >= 0
    rows = jnp.maximum(piv_row_of_col, 0)
    vals = A[bidx[:, None], rows, N]
    e_perm = jnp.where(is_piv, vals, 0).astype(jnp.uint8)
    e = jnp.zeros((B, N), jnp.uint8)
    e = e.at[bidx[:, None], cols_batch].set(e_perm)
    return e, piv_count


def reference(synd, converge, llr, H_matrix, e_v):
    not_conv = converge == 0
    soft = llr
    synd_sub = synd.astype(jnp.uint8)
    cols_batch = jnp.argsort(soft, axis=1)  # stable ascending
    H = H_matrix.astype(jnp.uint8)
    e_sub, piv_count = _osd0_solve(H, cols_batch, synd_sub)
    max_iter = jnp.max(jnp.where(not_conv, piv_count, 0))
    final = jnp.where(not_conv[:, None], e_sub, e_v.astype(jnp.uint8))
    ones_conv = jnp.ones_like(converge)
    return final, max_iter, ones_conv

if __name__ == "__main__":
    import jax
    _d = setup_inputs()
    print(jax.jit(kernel)(*tuple(_d.values())))

</pallas_src>

<mosaic_0001>
#map = affine_map<(d0, d1) -> (0)>
#map1 = affine_map<(d0, d1) -> (0, 0)>
module attributes {stable_mosaic.version = 14 : i64} {
  func.func @_sc_body(%arg0: i32, %arg1: i32, %arg2: memref<4096xi32, #tpu.memory_space<hbm>>, %arg3: memref<16x256xi32, #tpu.memory_space<hbm>>, %arg4: memref<16x512xi32, #tpu.memory_space<hbm>>, %arg5: memref<16xi32, #tpu.memory_space<hbm>>, %arg6: memref<16x512xi32, #tpu.memory_space<hbm>>, %arg7: memref<16x512xi32, #tpu.memory_space<hbm>>, %arg8: memref<16xi32, #tpu.memory_space<hbm>>, %arg9: memref<512xi32, #tpu.memory_space<vmem>>, %arg10: memref<4096xi32, #tpu.memory_space<vmem>>, %arg11: memref<256xi32, #tpu.memory_space<vmem>>, %arg12: memref<16xi32, #tpu.memory_space<vmem>>, %arg13: memref<4224xi32, #tpu.memory_space<vmem>>, %arg14: memref<528xi32, #tpu.memory_space<vmem>>, %arg15: memref<512xi32, #tpu.memory_space<vmem>>, %arg16: memref<512xi32, #tpu.memory_space<vmem>>, %arg17: memref<512xi32, #tpu.memory_space<vmem>>, %arg18: memref<16xi32, #tpu.memory_space<vmem>>) attributes {dimension_semantics = [#tpu.dimension_semantics<core_parallel>, #tpu.dimension_semantics<subcore_parallel>], iteration_bounds = array<i64: 2, 16>, scalar_prefetch = 0 : i64, scratch_operands = 10 : i64, tpu.core_type = #tpu.core_type<sc_vector_subcore>, window_params = [{transform_indices = #map}, {transform_indices = #map1}, {transform_indices = #map1}, {transform_indices = #map}, {transform_indices = #map1}, {transform_indices = #map1}, {transform_indices = #map}]} {
    %mul3A = arith.constant 2 : i32
    %mul3A_0 = arith.muli %arg1, %mul3A : i32
    %add3A = arith.addi %mul3A_0, %arg0 : i32
    %lt3A = arith.constant 16 : i32
    %lt3A_1 = arith.cmpi slt, %add3A, %lt3A : i32
    %convert_element_type3A = arith.extui %lt3A_1 : i1 to i32
    %cond3A = arith.constant 0 : i32
    %cond3A_2 = arith.cmpi ne, %convert_element_type3A, %cond3A : i32
    scf.if %cond3A_2 {
      "tpu.region"() ({
        %run_scoped3A = tpu.sem_alloc : memref<!tpu.dma_semaphore, #tpu.memory_space<semaphore_mem>>
        %dma_start3A = arith.constant 0 : i32
        %dma_start3A_279 = tpu.memref_slice %arg4[%add3A, %dma_start3A] : memref<16x512xi32, #tpu.memory_space<hbm>> -> memref<1x512xi32, #tpu.memory_space<hbm>>
        %dma_start3A_280 = tpu.memref_squeeze %dma_start3A_279 : memref<1x512xi32, #tpu.memory_space<hbm>> -> memref<512xi32, #tpu.memory_space<hbm>>
        %dma_start3A_281 = arith.constant 0 : i32
        %dma_start3A_282 = tpu.memref_slice %arg4[%add3A, %dma_start3A_281] : memref<16x512xi32, #tpu.memory_space<hbm>> -> memref<1x512xi32, #tpu.memory_space<hbm>>
        %dma_start3A_283 = tpu.memref_squeeze %dma_start3A_282 : memref<1x512xi32, #tpu.memory_space<hbm>> -> memref<512xi32, #tpu.memory_space<hbm>>
        tpu.enqueue_dma source(%dma_start3A_283 : memref<512xi32, #tpu.memory_space<hbm>>) target(%arg9 : memref<512xi32, #tpu.memory_space<vmem>>) target_semaphore(%run_scoped3A : memref<!tpu.dma_semaphore, #tpu.memory_space<semaphore_mem>>)
        %dma_wait3A = arith.constant 0 : i32
        %dma_wait3A_284 = tpu.memref_slice %arg4[%add3A, %dma_wait3A] : memref<16x512xi32, #tpu.memory_space<hbm>> -> memref<1x512xi32, #tpu.memory_space<hbm>>
        %dma_wait3A_285 = tpu.memref_squeeze %dma_wait3A_284 : memref<1x512xi32, #tpu.memory_space<hbm>> -> memref<512xi32, #tpu.memory_space<hbm>>
        %dma_wait3A_286 = arith.constant 0 : i32
        %dma_wait3A_287 = tpu.memref_slice %arg4[%add3A, %dma_wait3A_286] : memref<16x512xi32, #tpu.memory_space<hbm>> -> memref<1x512xi32, #tpu.memory_space<hbm>>
        %dma_wait3A_288 = tpu.memref_squeeze %dma_wait3A_287 : memref<1x512xi32, #tpu.memory_space<hbm>> -> memref<512xi32, #tpu.memory_space<hbm>>
        tpu.wait_dma2 semaphore(%run_scoped3A : memref<!tpu.dma_semaphore, #tpu.memory_space<semaphore_mem>>) src(%dma_wait3A_288 : memref<512xi32, #tpu.memory_space<hbm>>) dst(%arg9 : memref<512xi32, #tpu.memory_space<vmem>>)
        tpu.yield
      }) : () -> ()
      "tpu.region"() ({
        %run_scoped3A = tpu.sem_alloc : memref<!tpu.dma_semaphore, #tpu.memory_space<semaphore_mem>>
        tpu.enqueue_dma source(%arg2 : memref<4096xi32, #tpu.memory_space<hbm>>) target(%arg10 : memref<4096xi32, #tpu.memory_space<vmem>>) target_semaphore(%run_scoped3A : memref<!tpu.dma_semaphore, #tpu.memory_space<semaphore_mem>>)
        tpu.wait_dma2 semaphore(%run_scoped3A : memref<!tpu.dma_semaphore, #tpu.memory_space<semaphore_mem>>) src(%arg2 : memref<4096xi32, #tpu.memory_space<hbm>>) dst(%arg10 : memref<4096xi32, #tpu.memory_space<vmem>>)
        tpu.yield
      }) : () -> ()
      "tpu.region"() ({
        %run_scoped3A = tpu.sem_alloc : memref<!tpu.dma_semaphore, #tpu.memory_space<semaphore_mem>>
        %dma_start3A = arith.constant 0 : i32
        %dma_start3A_279 = tpu.memref_slice %arg3[%add3A, %dma_start3A] : memref<16x256xi32, #tpu.memory_space<hbm>> -> memref<1x256xi32, #tpu.memory_space<hbm>>
        %dma_start3A_280 = tpu.memref_squeeze %dma_start3A_279 : memref<1x256xi32, #tpu.memory_space<hbm>> -> memref<256xi32, #tpu.memory_space<hbm>>
        %dma_start3A_281 = arith.constant 0 : i32
        %dma_start3A_282 = tpu.memref_slice %arg3[%add3A, %dma_start3A_281] : memref<16x256xi32, #tpu.memory_space<hbm>> -> memref<1x256xi32, #tpu.memory_space<hbm>>
        %dma_start3A_283 = tpu.memref_squeeze %dma_start3A_282 : memref<1x256xi32, #tpu.memory_space<hbm>> -> memref<256xi32, #tpu.memory_space<hbm>>
        tpu.enqueue_dma source(%dma_start3A_283 : memref<256xi32, #tpu.memory_space<hbm>>) target(%arg11 : memref<256xi32, #tpu.memory_space<vmem>>) target_semaphore(%run_scoped3A : memref<!tpu.dma_semaphore, #tpu.memory_space<semaphore_mem>>)
        %dma_wait3A = arith.constant 0 : i32
        %dma_wait3A_284 = tpu.memref_slice %arg3[%add3A, %dma_wait3A] : memref<16x256xi32, #tpu.memory_space<hbm>> -> memref<1x256xi32, #tpu.memory_space<hbm>>
        %dma_wait3A_285 = tpu.memref_squeeze %dma_wait3A_284 : memref<1x256xi32, #tpu.memory_space<hbm>> -> memref<256xi32, #tpu.memory_space<hbm>>
        %dma_wait3A_286 = arith.constant 0 : i32
        %dma_wait3A_287 = tpu.memref_slice %arg3[%add3A, %dma_wait3A_286] : memref<16x256xi32, #tpu.memory_space<hbm>> -> memref<1x256xi32, #tpu.memory_space<hbm>>
        %dma_wait3A_288 = tpu.memref_squeeze %dma_wait3A_287 : memref<1x256xi32, #tpu.memory_space<hbm>> -> memref<256xi32, #tpu.memory_space<hbm>>
        tpu.wait_dma2 semaphore(%run_scoped3A : memref<!tpu.dma_semaphore, #tpu.memory_space<semaphore_mem>>) src(%dma_wait3A_288 : memref<256xi32, #tpu.memory_space<hbm>>) dst(%arg11 : memref<256xi32, #tpu.memory_space<vmem>>)
        tpu.yield
      }) : () -> ()
      "tpu.region"() ({
        %run_scoped3A = tpu.sem_alloc : memref<!tpu.dma_semaphore, #tpu.memory_space<semaphore_mem>>
        tpu.enqueue_dma source(%arg5 : memref<16xi32, #tpu.memory_space<hbm>>) target(%arg12 : memref<16xi32, #tpu.memory_space<vmem>>) target_semaphore(%run_scoped3A : memref<!tpu.dma_semaphore, #tpu.memory_space<semaphore_mem>>)
        tpu.wait_dma2 semaphore(%run_scoped3A : memref<!tpu.dma_semaphore, #tpu.memory_space<semaphore_mem>>) src(%arg5 : memref<16xi32, #tpu.memory_space<hbm>>) dst(%arg12 : memref<16xi32, #tpu.memory_space<vmem>>)
        tpu.yield
      }) : () -> ()
      "tpu.region"() ({
        %run_scoped3A = tpu.sem_alloc : memref<!tpu.dma_semaphore, #tpu.memory_space<semaphore_mem>>
        %dma_start3A = arith.constant 0 : i32
        %dma_start3A_279 = tpu.memref_slice %arg6[%add3A, %dma_start3A] : memref<16x512xi32, #tpu.memory_space<hbm>> -> memref<1x512xi32, #tpu.memory_space<hbm>>
        %dma_start3A_280 = tpu.memref_squeeze %dma_start3A_279 : memref<1x512xi32, #tpu.memory_space<hbm>> -> memref<512xi32, #tpu.memory_space<hbm>>
        %dma_start3A_281 = arith.constant 0 : i32
        %dma_start3A_282 = tpu.memref_slice %arg6[%add3A, %dma_start3A_281] : memref<16x512xi32, #tpu.memory_space<hbm>> -> memref<1x512xi32, #tpu.memory_space<hbm>>
        %dma_start3A_283 = tpu.memref_squeeze %dma_start3A_282 : memref<1x512xi32, #tpu.memory_space<hbm>> -> memref<512xi32, #tpu.memory_space<hbm>>
        tpu.enqueue_dma source(%dma_start3A_283 : memref<512xi32, #tpu.memory_space<hbm>>) target(%arg17 : memref<512xi32, #tpu.memory_space<vmem>>) target_semaphore(%run_scoped3A : memref<!tpu.dma_semaphore, #tpu.memory_space<semaphore_mem>>)
        %dma_wait3A = arith.constant 0 : i32
        %dma_wait3A_284 = tpu.memref_slice %arg6[%add3A, %dma_wait3A] : memref<16x512xi32, #tpu.memory_space<hbm>> -> memref<1x512xi32, #tpu.memory_space<hbm>>
        %dma_wait3A_285 = tpu.memref_squeeze %dma_wait3A_284 : memref<1x512xi32, #tpu.memory_space<hbm>> -> memref<512xi32, #tpu.memory_space<hbm>>
        %dma_wait3A_286 = arith.constant 0 : i32
        %dma_wait3A_287 = tpu.memref_slice %arg6[%add3A, %dma_wait3A_286] : memref<16x512xi32, #tpu.memory_space<hbm>> -> memref<1x512xi32, #tpu.memory_space<hbm>>
        %dma_wait3A_288 = tpu.memref_squeeze %dma_wait3A_287 : memref<1x512xi32, #tpu.memory_space<hbm>> -> memref<512xi32, #tpu.memory_space<hbm>>
        tpu.wait_dma2 semaphore(%run_scoped3A : memref<!tpu.dma_semaphore, #tpu.memory_space<semaphore_mem>>) src(%dma_wait3A_288 : memref<512xi32, #tpu.memory_space<hbm>>) dst(%arg17 : memref<512xi32, #tpu.memory_space<vmem>>)
        tpu.yield
      }) : () -> ()
      %iota3A = tpu.iota {dimensions = array<i32: 0>} : vector<16xi32>
      %get3A = arith.constant 0 : index
      %get3A_3 = tpu.vector_load %arg11[%get3A] {strides = array<i32>} : memref<256xi32, #tpu.memory_space<vmem>>, vector<16xi32>,
      %get3A_4 = arith.constant 16 : index
      %get3A_5 = tpu.vector_load %arg11[%get3A_4] {strides = array<i32>} : memref<256xi32, #tpu.memory_space<vmem>>, vector<16xi32>,
      %shift_left3A = arith.shli %get3A_3, %iota3A : vector<16xi32>
      %reduce_sum3A = arith.constant true
      %reduce_sum3A_6 = vector.broadcast %reduce_sum3A : i1 to vector<16xi1>
      %reduce_sum3A_7 = tpu.scan <sum>, %shift_left3A masked %reduce_sum3A_6 : vector<16xi32>, vector<16xi1> -> vector<16xi32>
      %reduce_sum3A_8 = vector.extract %reduce_sum3A_7[15] : i32 from vector<16xi32>
      %add3A_9 = arith.constant 16 : i32
      %add3A_10 = vector.broadcast %add3A_9 : i32 to vector<16xi32>
      %add3A_11 = arith.addi %iota3A, %add3A_10 : vector<16xi32>
      %shift_left3A_12 = arith.shli %get3A_5, %add3A_11 : vector<16xi32>
      %reduce_sum3A_13 = arith.constant true
      %reduce_sum3A_14 = vector.broadcast %reduce_sum3A_13 : i1 to vector<16xi1>
      %reduce_sum3A_15 = tpu.scan <sum>, %shift_left3A_12 masked %reduce_sum3A_14 : vector<16xi32>, vector<16xi1> -> vector<16xi32>
      %reduce_sum3A_16 = vector.extract %reduce_sum3A_15[15] : i32 from vector<16xi32>
      %add3A_17 = arith.addi %reduce_sum3A_8, %reduce_sum3A_16 : i32
      %eq3A = arith.constant 0 : i32
      %eq3A_18 = vector.broadcast %eq3A : i32 to vector<16xi32>
      %eq3A_19 = arith.cmpi eq, %iota3A, %eq3A_18 : vector<16xi32>
      %jit3A = arith.constant 0 : i32
      %broadcast_in_dim3A = vector.broadcast %add3A_17 : i32 to vector<16xi32>
      %broadcast_in_dim3A_20 = vector.broadcast %jit3A : i32 to vector<16xi32>
      %select_n3A = arith.select %eq3A_19, %broadcast_in_dim3A, %broadcast_in_dim3A_20 : vector<16xi1>, vector<16xi32>
      %swap3A = arith.constant 512 : index
      %swap3A_21 = tpu.vector_load %arg13[%swap3A] {strides = array<i32>} : memref<4224xi32, #tpu.memory_space<vmem>>, vector<16xi32>,
      tpu.vector_store %arg13[%swap3A], %select_n3A {strides = array<i32>} : memref<4224xi32, #tpu.memory_space<vmem>>, vector<16xi32>,
      %get3A_22 = arith.constant 32 : index
      %get3A_23 = tpu.vector_load %arg11[%get3A_22] {strides = array<i32>} : memref<256xi32, #tpu.memory_space<vmem>>, vector<16xi32>,
      %get3A_24 = arith.constant 48 : index
      %get3A_25 = tpu.vector_load %arg11[%get3A_24] {strides = array<i32>} : memref<256xi32, #tpu.memory_space<vmem>>, vector<16xi32>,
      %shift_left3A_26 = arith.shli %get3A_23, %iota3A : vector<16xi32>
      %reduce_sum3A_27 = arith.constant true
      %reduce_sum3A_28 = vector.broadcast %reduce_sum3A_27 : i1 to vector<16xi1>
      %reduce_sum3A_29 = tpu.scan <sum>, %shift_left3A_26 masked %reduce_sum3A_28 : vector<16xi32>, vector<16xi1> -> vector<16xi32>
      %reduce_sum3A_30 = vector.extract %reduce_sum3A_29[15] : i32 from vector<16xi32>
      %add3A_31 = arith.constant 16 : i32
      %add3A_32 = vector.broadcast %add3A_31 : i32 to vector<16xi32>
      %add3A_33 = arith.addi %iota3A, %add3A_32 : vector<16xi32>
      %shift_left3A_34 = arith.shli %get3A_25, %add3A_33 : vector<16xi32>
      %reduce_sum3A_35 = arith.constant true
      %reduce_sum3A_36 = vector.broadcast %reduce_sum3A_35 : i1 to vector<16xi1>
      %reduce_sum3A_37 = tpu.scan <sum>, %shift_left3A_34 masked %reduce_sum3A_36 : vector<16xi32>, vector<16xi1> -> vector<16xi32>
      %reduce_sum3A_38 = vector.extract %reduce_sum3A_37[15] : i32 from vector<16xi32>
      %add3A_39 = arith.addi %reduce_sum3A_30, %reduce_sum3A_38 : i32
      %eq3A_40 = arith.constant 0 : i32
      %eq3A_41 = vector.broadcast %eq3A_40 : i32 to vector<16xi32>
      %eq3A_42 = arith.cmpi eq, %iota3A, %eq3A_41 : vector<16xi32>
      %jit3A_43 = arith.constant 0 : i32
      %broadcast_in_dim3A_44 = vector.broadcast %add3A_39 : i32 to vector<16xi32>
      %broadcast_in_dim3A_45 = vector.broadcast %jit3A_43 : i32 to vector<16xi32>
      %select_n3A_46 = arith.select %eq3A_42, %broadcast_in_dim3A_44, %broadcast_in_dim3A_45 : vector<16xi1>, vector<16xi32>
      %swap3A_47 = arith.constant 1040 : index
      %swap3A_48 = tpu.vector_load %arg13[%swap3A_47] {strides = array<i32>} : memref<4224xi32, #tpu.memory_space<vmem>>, vector<16xi32>,
      tpu.vector_store %arg13[%swap3A_47], %select_n3A_46 {strides = array<i32>} : memref<4224xi32, #tpu.memory_space<vmem>>, vector<16xi32>,
      %get3A_49 = arith.constant 64 : index
      %get3A_50 = tpu.vector_load %arg11[%get3A_49] {strides = array<i32>} : memref<256xi32, #tpu.memory_space<vmem>>, vector<16xi32>,
      %get3A_51 = arith.constant 80 : index
      %get3A_52 = tpu.vector_load %arg11[%get3A_51] {strides = array<i32>} : memref<256xi32, #tpu.memory_space<vmem>>, vector<16xi32>,
      %shift_left3A_53 = arith.shli %get3A_50, %iota3A : vector<16xi32>
      %reduce_sum3A_54 = arith.constant true
      %reduce_sum3A_55 = vector.broadcast %reduce_sum3A_54 : i1 to vector<16xi1>
      %reduce_sum3A_56 = tpu.scan <sum>, %shift_left3A_53 masked %reduce_sum3A_55 : vector<16xi32>, vector<16xi1> -> vector<16xi32>
      %reduce_sum3A_57 = vector.extract %reduce_sum3A_56[15] : i32 from vector<16xi32>
      %add3A_58 = arith.constant 16 : i32
      %add3A_59 = vector.broadcast %add3A_58 : i32 to vector<16xi32>
      %add3A_60 = arith.addi %iota3A, %add3A_59 : vector<16xi32>
      %shift_left3A_61 = arith.shli %get3A_52, %add3A_60 : vector<16xi32>
      %reduce_sum3A_62 = arith.constant true
      %reduce_sum3A_63 = vector.broadcast %reduce_sum3A_62 : i1 to vector<16xi1>
      %reduce_sum3A_64 = tpu.scan <sum>, %shift_left3A_61 masked %reduce_sum3A_63 : vector<16xi32>, vector<16xi1> -> vector<16xi32>
      %reduce_sum3A_65 = vector.extract %reduce_sum3A_64[15] : i32 from vector<16xi32>
      %add3A_66 = arith.addi %reduce_sum3A_57, %reduce_sum3A_65 : i32
      %eq3A_67 = arith.constant 0 : i32
      %eq3A_68 = vector.broadcast %eq3A_67 : i32 to vector<16xi32>
      %eq3A_69 = arith.cmpi eq, %iota3A, %eq3A_68 : vector<16xi32>
      %jit3A_70 = arith.constant 0 : i32
      %broadcast_in_dim3A_71 = vector.broadcast %add3A_66 : i32 to vector<16xi32>
      %broadcast_in_dim3A_72 = vector.broadcast %jit3A_70 : i32 to vector<16xi32>
      %select_n3A_73 = arith.select %eq3A_69, %broadcast_in_dim3A_71, %broadcast_in_dim3A_72 : vector<16xi1>, vector<16xi32>
      %swap3A_74 = arith.constant 1568 : index
      %swap3A_75 = tpu.vector_load %arg13[%swap3A_74] {strides = array<i32>} : memref<4224xi32, #tpu.memory_space<vmem>>, vector<16xi32>,
      tpu.vector_store %arg13[%swap3A_74], %select_n3A_73 {strides = array<i32>} : memref<4224xi32, #tpu.memory_space<vmem>>, vector<16xi32>,
      %get3A_76 = arith.constant 96 : index
      %get3A_77 = tpu.vector_load %arg11[%get3A_76] {strides = array<i32>} : memref<256xi32, #tpu.memory_space<vmem>>, vector<16xi32>,
      %get3A_78 = arith.constant 112 : index
      %get3A_79 = tpu.vector_load %arg11[%get3A_78] {strides = array<i32>} : memref<256xi32, #tpu.memory_space<vmem>>, vector<16xi32>,
      %shift_left3A_80 = arith.shli %get3A_77, %iota3A : vector<16xi32>
      %reduce_sum3A_81 = arith.constant true
      %reduce_sum3A_82 = vector.broadcast %reduce_sum3A_81 : i1 to vector<16xi1>
      %reduce_sum3A_83 = tpu.scan <sum>, %shift_left3A_80 masked %reduce_sum3A_82 : vector<16xi32>, vector<16xi1> -> vector<16xi32>
      %reduce_sum3A_84 = vector.extract %reduce_sum3A_83[15] : i32 from vector<16xi32>
      %add3A_85 = arith.constant 16 : i32
      %add3A_86 = vector.broadcast %add3A_85 : i32 to vector<16xi32>
      %add3A_87 = arith.addi %iota3A, %add3A_86 : vector<16xi32>
      %shift_left3A_88 = arith.shli %get3A_79, %add3A_87 : vector<16xi32>
      %reduce_sum3A_89 = arith.constant true
      %reduce_sum3A_90 = vector.broadcast %reduce_sum3A_89 : i1 to vector<16xi1>
      %reduce_sum3A_91 = tpu.scan <sum>, %shift_left3A_88 masked %reduce_sum3A_90 : vector<16xi32>, vector<16xi1> -> vector<16xi32>
      %reduce_sum3A_92 = vector.extract %reduce_sum3A_91[15] : i32 from vector<16xi32>
      %add3A_93 = arith.addi %reduce_sum3A_84, %reduce_sum3A_92 : i32
      %eq3A_94 = arith.constant 0 : i32
      %eq3A_95 = vector.broadcast %eq3A_94 : i32 to vector<16xi32>
      %eq3A_96 = arith.cmpi eq, %iota3A, %eq3A_95 : vector<16xi32>
      %jit3A_97 = arith.constant 0 : i32
      %broadcast_in_dim3A_98 = vector.broadcast %add3A_93 : i32 to vector<16xi32>
      %broadcast_in_dim3A_99 = vector.broadcast %jit3A_97 : i32 to vector<16xi32>
      %select_n3A_100 = arith.select %eq3A_96, %broadcast_in_dim3A_98, %broadcast_in_dim3A_99 : vector<16xi1>, vector<16xi32>
      %swap3A_101 = arith.constant 2096 : index
      %swap3A_102 = tpu.vector_load %arg13[%swap3A_101] {strides = array<i32>} : memref<4224xi32, #tpu.memory_space<vmem>>, vector<16xi32>,
      tpu.vector_store %arg13[%swap3A_101], %select_n3A_100 {strides = array<i32>} : memref<4224xi32, #tpu.memory_space<vmem>>, vector<16xi32>,
      %get3A_103 = arith.constant 128 : index
      %get3A_104 = tpu.vector_load %arg11[%get3A_103] {strides = array<i32>} : memref<256xi32, #tpu.memory_space<vmem>>, vector<16xi32>,
      %get3A_105 = arith.constant 144 : index
      %get3A_106 = tpu.vector_load %arg11[%get3A_105] {strides = array<i32>} : memref<256xi32, #tpu.memory_space<vmem>>, vector<16xi32>,
      %shift_left3A_107 = arith.shli %get3A_104, %iota3A : vector<16xi32>
      %reduce_sum3A_108 = arith.constant true
      %reduce_sum3A_109 = vector.broadcast %reduce_sum3A_108 : i1 to vector<16xi1>
      %reduce_sum3A_110 = tpu.scan <sum>, %shift_left3A_107 masked %reduce_sum3A_109 : vector<16xi32>, vector<16xi1> -> vector<16xi32>
      %reduce_sum3A_111 = vector.extract %reduce_sum3A_110[15] : i32 from vector<16xi32>
      %add3A_112 = arith.constant 16 : i32
      %add3A_113 = vector.broadcast %add3A_112 : i32 to vector<16xi32>
      %add3A_114 = arith.addi %iota3A, %add3A_113 : vector<16xi32>
      %shift_left3A_115 = arith.shli %get3A_106, %add3A_114 : vector<16xi32>
      %reduce_sum3A_116 = arith.constant true
      %reduce_sum3A_117 = vector.broadcast %reduce_sum3A_116 : i1 to vector<16xi1>
      %reduce_sum3A_118 = tpu.scan <sum>, %shift_left3A_115 masked %reduce_sum3A_117 : vector<16xi32>, vector<16xi1> -> vector<16xi32>
      %reduce_sum3A_119 = vector.extract %reduce_sum3A_118[15] : i32 from vector<16xi32>
      %add3A_120 = arith.addi %reduce_sum3A_111, %reduce_sum3A_119 : i32
      %eq3A_121 = arith.constant 0 : i32
      %eq3A_122 = vector.broadcast %eq3A_121 : i32 to vector<16xi32>
      %eq3A_123 = arith.cmpi eq, %iota3A, %eq3A_122 : vector<16xi32>
      %jit3A_124 = arith.constant 0 : i32
      %broadcast_in_dim3A_125 = vector.broadcast %add3A_120 : i32 to vector<16xi32>
      %broadcast_in_dim3A_126 = vector.broadcast %jit3A_124 : i32 to vector<16xi32>
      %select_n3A_127 = arith.select %eq3A_123, %broadcast_in_dim3A_125, %broadcast_in_dim3A_126 : vector<16xi1>, vector<16xi32>
      %swap3A_128 = arith.constant 2624 : index
      %swap3A_129 = tpu.vector_load %arg13[%swap3A_128] {strides = array<i32>} : memref<4224xi32, #tpu.memory_space<vmem>>, vector<16xi32>,
      tpu.vector_store %arg13[%swap3A_128], %select_n3A_127 {strides = array<i32>} : memref<4224xi32, #tpu.memory_space<vmem>>, vector<16xi32>,
      %get3A_130 = arith.constant 160 : index
      %get3A_131 = tpu.vector_load %arg11[%get3A_130] {strides = array<i32>} : memref<256xi32, #tpu.memory_space<vmem>>, vector<16xi32>,
      %get3A_132 = arith.constant 176 : index
      %get3A_133 = tpu.vector_load %arg11[%get3A_132] {strides = array<i32>} : memref<256xi32, #tpu.memory_space<vmem>>, vector<16xi32>,
      %shift_left3A_134 = arith.shli %get3A_131, %iota3A : vector<16xi32>
      %reduce_sum3A_135 = arith.constant true
      %reduce_sum3A_136 = vector.broadcast %reduce_sum3A_135 : i1 to vector<16xi1>
      %reduce_sum3A_137 = tpu.scan <sum>, %shift_left3A_134 masked %reduce_sum3A_136 : vector<16xi32>, vector<16xi1> -> vector<16xi32>
      %reduce_sum3A_138 = vector.extract %reduce_sum3A_137[15] : i32 from vector<16xi32>
      %add3A_139 = arith.constant 16 : i32
      %add3A_140 = vector.broadcast %add3A_139 : i32 to vector<16xi32>
      %add3A_141 = arith.addi %iota3A, %add3A_140 : vector<16xi32>
      %shift_left3A_142 = arith.shli %get3A_133, %add3A_141 : vector<16xi32>
      %reduce_sum3A_143 = arith.constant true
      %reduce_sum3A_144 = vector.broadcast %reduce_sum3A_143 : i1 to vector<16xi1>
      %reduce_sum3A_145 = tpu.scan <sum>, %shift_left3A_142 masked %reduce_sum3A_144 : vector<16xi32>, vector<16xi1> -> vector<16xi32>
      %reduce_sum3A_146 = vector.extract %reduce_sum3A_145[15] : i32 from vector<16xi32>
      %add3A_147 = arith.addi %reduce_sum3A_138, %reduce_sum3A_146 : i32
      %eq3A_148 = arith.constant 0 : i32
      %eq3A_149 = vector.broadcast %eq3A_148 : i32 to vector<16xi32>
      %eq3A_150 = arith.cmpi eq, %iota3A, %eq3A_149 : vector<16xi32>
      %jit3A_151 = arith.constant 0 : i32
      %broadcast_in_dim3A_152 = vector.broadcast %add3A_147 : i32 to vector<16xi32>
      %broadcast_in_dim3A_153 = vector.broadcast %jit3A_151 : i32 to vector<16xi32>
      %select_n3A_154 = arith.select %eq3A_150, %broadcast_in_dim3A_152, %broadcast_in_dim3A_153 : vector<16xi1>, vector<16xi32>
      %swap3A_155 = arith.constant 3152 : index
      %swap3A_156 = tpu.vector_load %arg13[%swap3A_155] {strides = array<i32>} : memref<4224xi32, #tpu.memory_space<vmem>>, vector<16xi32>,
      tpu.vector_store %arg13[%swap3A_155], %select_n3A_154 {strides = array<i32>} : memref<4224xi32, #tpu.memory_space<vmem>>, vector<16xi32>,
      %get3A_157 = arith.constant 192 : index
      %get3A_158 = tpu.vector_load %arg11[%get3A_157] {strides = array<i32>} : memref<256xi32, #tpu.memory_space<vmem>>, vector<16xi32>,
      %get3A_159 = arith.constant 208 : index
      %get3A_160 = tpu.vector_load %arg11[%get3A_159] {strides = array<i32>} : memref<256xi32, #tpu.memory_space<vmem>>, vector<16xi32>,
      %shift_left3A_161 = arith.shli %get3A_158, %iota3A : vector<16xi32>
      %reduce_sum3A_162 = arith.constant true
      %reduce_sum3A_163 = vector.broadcast %reduce_sum3A_162 : i1 to vector<16xi1>
      %reduce_sum3A_164 = tpu.scan <sum>, %shift_left3A_161 masked %reduce_sum3A_163 : vector<16xi32>, vector<16xi1> -> vector<16xi32>
      %reduce_sum3A_165 = vector.extract %reduce_sum3A_164[15] : i32 from vector<16xi32>
      %add3A_166 = arith.constant 16 : i32
      %add3A_167 = vector.broadcast %add3A_166 : i32 to vector<16xi32>
      %add3A_168 = arith.addi %iota3A, %add3A_167 : vector<16xi32>
      %shift_left3A_169 = arith.shli %get3A_160, %add3A_168 : vector<16xi32>
      %reduce_sum3A_170 = arith.constant true
      %reduce_sum3A_171 = vector.broadcast %reduce_sum3A_170 : i1 to vector<16xi1>
      %reduce_sum3A_172 = tpu.scan <sum>, %shift_left3A_169 masked %reduce_sum3A_171 : vector<16xi32>, vector<16xi1> -> vector<16xi32>
      %reduce_sum3A_173 = vector.extract %reduce_sum3A_172[15] : i32 from vector<16xi32>
      %add3A_174 = arith.addi %reduce_sum3A_165, %reduce_sum3A_173 : i32
      %eq3A_175 = arith.constant 0 : i32
      %eq3A_176 = vector.broadcast %eq3A_175 : i32 to vector<16xi32>
      %eq3A_177 = arith.cmpi eq, %iota3A, %eq3A_176 : vector<16xi32>
      %jit3A_178 = arith.constant 0 : i32
      %broadcast_in_dim3A_179 = vector.broadcast %add3A_174 : i32 to vector<16xi32>
      %broadcast_in_dim3A_180 = vector.broadcast %jit3A_178 : i32 to vector<16xi32>
      %select_n3A_181 = arith.select %eq3A_177, %broadcast_in_dim3A_179, %broadcast_in_dim3A_180 : vector<16xi1>, vector<16xi32>
      %swap3A_182 = arith.constant 3680 : index
      %swap3A_183 = tpu.vector_load %arg13[%swap3A_182] {strides = array<i32>} : memref<4224xi32, #tpu.memory_space<vmem>>, vector<16xi32>,
      tpu.vector_store %arg13[%swap3A_182], %select_n3A_181 {strides = array<i32>} : memref<4224xi32, #tpu.memory_space<vmem>>, vector<16xi32>,
      %get3A_184 = arith.constant 224 : index
      %get3A_185 = tpu.vector_load %arg11[%get3A_184] {strides = array<i32>} : memref<256xi32, #tpu.memory_space<vmem>>, vector<16xi32>,
      %get3A_186 = arith.constant 240 : index
      %get3A_187 = tpu.vector_load %arg11[%get3A_186] {strides = array<i32>} : memref<256xi32, #tpu.memory_space<vmem>>, vector<16xi32>,
      %shift_left3A_188 = arith.shli %get3A_185, %iota3A : vector<16xi32>
      %reduce_sum3A_189 = arith.constant true
      %reduce_sum3A_190 = vector.broadcast %reduce_sum3A_189 : i1 to vector<16xi1>
      %reduce_sum3A_191 = tpu.scan <sum>, %shift_left3A_188 masked %reduce_sum3A_190 : vector<16xi32>, vector<16xi1> -> vector<16xi32>
      %reduce_sum3A_192 = vector.extract %reduce_sum3A_191[15] : i32 from vector<16xi32>
      %add3A_193 = arith.constant 16 : i32
      %add3A_194 = vector.broadcast %add3A_193 : i32 to vector<16xi32>
      %add3A_195 = arith.addi %iota3A, %add3A_194 : vector<16xi32>
      %shift_left3A_196 = arith.shli %get3A_187, %add3A_195 : vector<16xi32>
      %reduce_sum3A_197 = arith.constant true
      %reduce_sum3A_198 = vector.broadcast %reduce_sum3A_197 : i1 to vector<16xi1>
      %reduce_sum3A_199 = tpu.scan <sum>, %shift_left3A_196 masked %reduce_sum3A_198 : vector<16xi32>, vector<16xi1> -> vector<16xi32>
      %reduce_sum3A_200 = vector.extract %reduce_sum3A_199[15] : i32 from vector<16xi32>
      %add3A_201 = arith.addi %reduce_sum3A_192, %reduce_sum3A_200 : i32
      %eq3A_202 = arith.constant 0 : i32
      %eq3A_203 = vector.broadcast %eq3A_202 : i32 to vector<16xi32>
      %eq3A_204 = arith.cmpi eq, %iota3A, %eq3A_203 : vector<16xi32>
      %jit3A_205 = arith.constant 0 : i32
      %broadcast_in_dim3A_206 = vector.broadcast %add3A_201 : i32 to vector<16xi32>
      %broadcast_in_dim3A_207 = vector.broadcast %jit3A_205 : i32 to vector<16xi32>
      %select_n3A_208 = arith.select %eq3A_204, %broadcast_in_dim3A_206, %broadcast_in_dim3A_207 : vector<16xi1>, vector<16xi32>
      %swap3A_209 = arith.constant 4208 : index
      %swap3A_210 = tpu.vector_load %arg13[%swap3A_209] {strides = array<i32>} : memref<4224xi32, #tpu.memory_space<vmem>>, vector<16xi32>,
      tpu.vector_store %arg13[%swap3A_209], %select_n3A_208 {strides = array<i32>} : memref<4224xi32, #tpu.memory_space<vmem>>, vector<16xi32>,
      %parallel_loop3A = arith.constant 0 : i32
      %parallel_loop3A_211 = arith.constant 32 : i32
      %parallel_loop3A_212 = arith.constant 1 : i32
      scf.for %parallel_loop3A_279 = %parallel_loop3A to %parallel_loop3A_211 step %parallel_loop3A_212  : i32 {
        %parallel_loop3A_280 = arith.constant 16 : i32
        %parallel_loop3A_281 = arith.muli %parallel_loop3A_279, %parallel_loop3A_280 : i32
        %parallel_loop3A_282 = arith.index_cast %parallel_loop3A_281 : i32 to index
        %parallel_loop3A_283 = tpu.vector_load %arg9[%parallel_loop3A_282] {strides = array<i32>} : memref<512xi32, #tpu.memory_space<vmem>>, vector<16xi32>,
        %parallel_loop3A_284 = arith.constant 0 : i32
        %parallel_loop3A_285 = vector.broadcast %parallel_loop3A_284 : i32 to vector<16xi32>
        %parallel_loop3A_286 = arith.addi %parallel_loop3A_283, %parallel_loop3A_285 : vector<16xi32>
        %parallel_loop3A_287 = arith.constant 0 : i32
        %parallel_loop3A_288 = arith.addi %parallel_loop3A_287, %parallel_loop3A_281 : i32
        %parallel_loop3A_289 = arith.index_cast %parallel_loop3A_288 : i32 to index
        %parallel_loop3A_290 = tpu.vector_load %arg10[%parallel_loop3A_289] {strides = array<i32>} : memref<4096xi32, #tpu.memory_space<vmem>>, vector<16xi32>,
        tpu.vector_store_idx %arg13[%parallel_loop3A_286], %parallel_loop3A_290 : memref<4224xi32, #tpu.memory_space<vmem>>[vector<16xi32>], vector<16xi32>,
        %parallel_loop3A_291 = arith.constant 528 : i32
        %parallel_loop3A_292 = vector.broadcast %parallel_loop3A_291 : i32 to vector<16xi32>
        %parallel_loop3A_293 = arith.addi %parallel_loop3A_283, %parallel_loop3A_292 : vector<16xi32>
        %parallel_loop3A_294 = arith.constant 512 : i32
        %parallel_loop3A_295 = arith.addi %parallel_loop3A_294, %parallel_loop3A_281 : i32
        %parallel_loop3A_296 = arith.index_cast %parallel_loop3A_295 : i32 to index
        %parallel_loop3A_297 = tpu.vector_load %arg10[%parallel_loop3A_296] {strides = array<i32>} : memref<4096xi32, #tpu.memory_space<vmem>>, vector<16xi32>,
        tpu.vector_store_idx %arg13[%parallel_loop3A_293], %parallel_loop3A_297 : memref<4224xi32, #tpu.memory_space<vmem>>[vector<16xi32>], vector<16xi32>,
        %parallel_loop3A_298 = arith.constant 1056 : i32
        %parallel_loop3A_299 = vector.broadcast %parallel_loop3A_298 : i32 to vector<16xi32>
        %parallel_loop3A_300 = arith.addi %parallel_loop3A_283, %parallel_loop3A_299 : vector<16xi32>
        %parallel_loop3A_301 = arith.constant 1024 : i32
        %parallel_loop3A_302 = arith.addi %parallel_loop3A_301, %parallel_loop3A_281 : i32
        %parallel_loop3A_303 = arith.index_cast %parallel_loop3A_302 : i32 to index
        %parallel_loop3A_304 = tpu.vector_load %arg10[%parallel_loop3A_303] {strides = array<i32>} : memref<4096xi32, #tpu.memory_space<vmem>>, vector<16xi32>,
        tpu.vector_store_idx %arg13[%parallel_loop3A_300], %parallel_loop3A_304 : memref<4224xi32, #tpu.memory_space<vmem>>[vector<16xi32>], vector<16xi32>,
        %parallel_loop3A_305 = arith.constant 1584 : i32
        %parallel_loop3A_306 = vector.broadcast %parallel_loop3A_305 : i32 to vector<16xi32>
        %parallel_loop3A_307 = arith.addi %parallel_loop3A_283, %parallel_loop3A_306 : vector<16xi32>
        %parallel_loop3A_308 = arith.constant 1536 : i32
        %parallel_loop3A_309 = arith.addi %parallel_loop3A_308, %parallel_loop3A_281 : i32
        %parallel_loop3A_310 = arith.index_cast %parallel_loop3A_309 : i32 to index
        %parallel_loop3A_311 = tpu.vector_load %arg10[%parallel_loop3A_310] {strides = array<i32>} : memref<4096xi32, #tpu.memory_space<vmem>>, vector<16xi32>,
        tpu.vector_store_idx %arg13[%parallel_loop3A_307], %parallel_loop3A_311 : memref<4224xi32, #tpu.memory_space<vmem>>[vector<16xi32>], vector<16xi32>,
        %parallel_loop3A_312 = arith.constant 2112 : i32
        %parallel_loop3A_313 = vector.broadcast %parallel_loop3A_312 : i32 to vector<16xi32>
        %parallel_loop3A_314 = arith.addi %parallel_loop3A_283, %parallel_loop3A_313 : vector<16xi32>
        %parallel_loop3A_315 = arith.constant 2048 : i32
        %parallel_loop3A_316 = arith.addi %parallel_loop3A_315, %parallel_loop3A_281 : i32
        %parallel_loop3A_317 = arith.index_cast %parallel_loop3A_316 : i32 to index
        %parallel_loop3A_318 = tpu.vector_load %arg10[%parallel_loop3A_317] {strides = array<i32>} : memref<4096xi32, #tpu.memory_space<vmem>>, vector<16xi32>,
        tpu.vector_store_idx %arg13[%parallel_loop3A_314], %parallel_loop3A_318 : memref<4224xi32, #tpu.memory_space<vmem>>[vector<16xi32>], vector<16xi32>,
        %parallel_loop3A_319 = arith.constant 2640 : i32
        %parallel_loop3A_320 = vector.broadcast %parallel_loop3A_319 : i32 to vector<16xi32>
        %parallel_loop3A_321 = arith.addi %parallel_loop3A_283, %parallel_loop3A_320 : vector<16xi32>
        %parallel_loop3A_322 = arith.constant 2560 : i32
        %parallel_loop3A_323 = arith.addi %parallel_loop3A_322, %parallel_loop3A_281 : i32
        %parallel_loop3A_324 = arith.index_cast %parallel_loop3A_323 : i32 to index
        %parallel_loop3A_325 = tpu.vector_load %arg10[%parallel_loop3A_324] {strides = array<i32>} : memref<4096xi32, #tpu.memory_space<vmem>>, vector<16xi32>,
        tpu.vector_store_idx %arg13[%parallel_loop3A_321], %parallel_loop3A_325 : memref<4224xi32, #tpu.memory_space<vmem>>[vector<16xi32>], vector<16xi32>,
        %parallel_loop3A_326 = arith.constant 3168 : i32
        %parallel_loop3A_327 = vector.broadcast %parallel_loop3A_326 : i32 to vector<16xi32>
        %parallel_loop3A_328 = arith.addi %parallel_loop3A_283, %parallel_loop3A_327 : vector<16xi32>
        %parallel_loop3A_329 = arith.constant 3072 : i32
        %parallel_loop3A_330 = arith.addi %parallel_loop3A_329, %parallel_loop3A_281 : i32
        %parallel_loop3A_331 = arith.index_cast %parallel_loop3A_330 : i32 to index
        %parallel_loop3A_332 = tpu.vector_load %arg10[%parallel_loop3A_331] {strides = array<i32>} : memref<4096xi32, #tpu.memory_space<vmem>>, vector<16xi32>,
        tpu.vector_store_idx %arg13[%parallel_loop3A_328], %parallel_loop3A_332 : memref<4224xi32, #tpu.memory_space<vmem>>[vector<16xi32>], vector<16xi32>,
        %parallel_loop3A_333 = arith.constant 3696 : i32
        %parallel_loop3A_334 = vector.broadcast %parallel_loop3A_333 : i32 to vector<16xi32>
        %parallel_loop3A_335 = arith.addi %parallel_loop3A_283, %parallel_loop3A_334 : vector<16xi32>
        %parallel_loop3A_336 = arith.constant 3584 : i32
        %parallel_loop3A_337 = arith.addi %parallel_loop3A_336, %parallel_loop3A_281 : i32
        %parallel_loop3A_338 = arith.index_cast %parallel_loop3A_337 : i32 to index
        %parallel_loop3A_339 = tpu.vector_load %arg10[%parallel_loop3A_338] {strides = array<i32>} : memref<4096xi32, #tpu.memory_space<vmem>>, vector<16xi32>,
        tpu.vector_store_idx %arg13[%parallel_loop3A_335], %parallel_loop3A_339 : memref<4224xi32, #tpu.memory_space<vmem>>[vector<16xi32>], vector<16xi32>,
      } {sc.loop_unroll_factor = 2 : i64, sc.parallel_access}
      %scan3A = arith.constant 0 : i32
      %scan3A_213 = arith.constant 0 : i32
      %scan3A_214 = arith.constant 0 : i32
      %scan3A_215 = arith.constant 0 : i32
      %scan3A_216 = arith.constant 0 : i32
      %scan3A_217 = arith.constant 0 : i32
      %scan3A_218 = arith.constant 0 : i32
      %scan3A_219 = arith.constant 0 : i32
      %scan3A_220 = arith.constant 0 : i32
      %scan3A_221 = arith.constant 0 : i32
      %scan3A_222 = arith.constant 512 : i32
      %scan3A_223 = arith.addi %scan3A_221, %scan3A_222 : i32
      %scan3A_224 = arith.constant 1 : i32
      %scan3A_225:9 = scf.for %scan3A_279 = %scan3A_221 to %scan3A_223 step %scan3A_224 iter_args(%scan3A_280 = %scan3A, %scan3A_281 = %scan3A_213, %scan3A_282 = %scan3A_214, %scan3A_283 = %scan3A_215, %scan3A_284 = %scan3A_216, %scan3A_285 = %scan3A_217, %scan3A_286 = %scan3A_218, %scan3A_287 = %scan3A_219, %scan3A_288 = %scan3A_220) -> (i32, i32, i32, i32, i32, i32, i32, i32, i32)  : i32 {
        %add3A_289 = arith.constant 0 : i32
        %add3A_290 = arith.addi %add3A_289, %scan3A_279 : i32
        %get3A_291 = arith.index_cast %add3A_290 : i32 to index
        %get3A_292 = tpu.vector_load %arg13[%get3A_291] {strides = array<i32>} : memref<4224xi32, #tpu.memory_space<vmem>>, vector<16xi32>,
        %slice3A_293 = vector.extract_strided_slice %get3A_292 {offsets = [0], sizes = [1], strides = [1]} : vector<16xi32> to vector<1xi32>
        %squeeze3A_294 = vector.extract %slice3A_293[0] : i32 from vector<1xi32>
        %add3A_295 = arith.constant 528 : i32
        %add3A_296 = arith.addi %add3A_295, %scan3A_279 : i32
        %get3A_297 = arith.index_cast %add3A_296 : i32 to index
        %get3A_298 = tpu.vector_load %arg13[%get3A_297] {strides = array<i32>} : memref<4224xi32, #tpu.memory_space<vmem>>, vector<16xi32>,
        %slice3A_299 = vector.extract_strided_slice %get3A_298 {offsets = [0], sizes = [1], strides = [1]} : vector<16xi32> to vector<1xi32>
        %squeeze3A_300 = vector.extract %slice3A_299[0] : i32 from vector<1xi32>
        %add3A_301 = arith.constant 1056 : i32
        %add3A_302 = arith.addi %add3A_301, %scan3A_279 : i32
        %get3A_303 = arith.index_cast %add3A_302 : i32 to index
        %get3A_304 = tpu.vector_load %arg13[%get3A_303] {strides = array<i32>} : memref<4224xi32, #tpu.memory_space<vmem>>, vector<16xi32>,
        %slice3A_305 = vector.extract_strided_slice %get3A_304 {offsets = [0], sizes = [1], strides = [1]} : vector<16xi32> to vector<1xi32>
        %squeeze3A_306 = vector.extract %slice3A_305[0] : i32 from vector<1xi32>
        %add3A_307 = arith.constant 1584 : i32
        %add3A_308 = arith.addi %add3A_307, %scan3A_279 : i32
        %get3A_309 = arith.index_cast %add3A_308 : i32 to index
        %get3A_310 = tpu.vector_load %arg13[%get3A_309] {strides = array<i32>} : memref<4224xi32, #tpu.memory_space<vmem>>, vector<16xi32>,
        %slice3A_311 = vector.extract_strided_slice %get3A_310 {offsets = [0], sizes = [1], strides = [1]} : vector<16xi32> to vector<1xi32>
        %squeeze3A_312 = vector.extract %slice3A_311[0] : i32 from vector<1xi32>
        %add3A_313 = arith.constant 2112 : i32
        %add3A_314 = arith.addi %add3A_313, %scan3A_279 : i32
        %get3A_315 = arith.index_cast %add3A_314 : i32 to index
        %get3A_316 = tpu.vector_load %arg13[%get3A_315] {strides = array<i32>} : memref<4224xi32, #tpu.memory_space<vmem>>, vector<16xi32>,
        %slice3A_317 = vector.extract_strided_slice %get3A_316 {offsets = [0], sizes = [1], strides = [1]} : vector<16xi32> to vector<1xi32>
        %squeeze3A_318 = vector.extract %slice3A_317[0] : i32 from vector<1xi32>
        %add3A_319 = arith.constant 2640 : i32
        %add3A_320 = arith.addi %add3A_319, %scan3A_279 : i32
        %get3A_321 = arith.index_cast %add3A_320 : i32 to index
        %get3A_322 = tpu.vector_load %arg13[%get3A_321] {strides = array<i32>} : memref<4224xi32, #tpu.memory_space<vmem>>, vector<16xi32>,
        %slice3A_323 = vector.extract_strided_slice %get3A_322 {offsets = [0], sizes = [1], strides = [1]} : vector<16xi32> to vector<1xi32>
        %squeeze3A_324 = vector.extract %slice3A_323[0] : i32 from vector<1xi32>
        %add3A_325 = arith.constant 3168 : i32
        %add3A_326 = arith.addi %add3A_325, %scan3A_279 : i32
        %get3A_327 = arith.index_cast %add3A_326 : i32 to index
        %get3A_328 = tpu.vector_load %arg13[%get3A_327] {strides = array<i32>} : memref<4224xi32, #tpu.memory_space<vmem>>, vector<16xi32>,
        %slice3A_329 = vector.extract_strided_slice %get3A_328 {offsets = [0], sizes = [1], strides = [1]} : vector<16xi32> to vector<1xi32>
        %squeeze3A_330 = vector.extract %slice3A_329[0] : i32 from vector<1xi32>
        %add3A_331 = arith.constant 3696 : i32
        %add3A_332 = arith.addi %add3A_331, %scan3A_279 : i32
        %get3A_333 = arith.index_cast %add3A_332 : i32 to index
        %get3A_334 = tpu.vector_load %arg13[%get3A_333] {strides = array<i32>} : memref<4224xi32, #tpu.memory_space<vmem>>, vector<16xi32>,
        %slice3A_335 = vector.extract_strided_slice %get3A_334 {offsets = [0], sizes = [1], strides = [1]} : vector<16xi32> to vector<1xi32>
        %squeeze3A_336 = vector.extract %slice3A_335[0] : i32 from vector<1xi32>
        %not3A = arith.constant -1 : i32
        %not3A_337 = arith.xori %scan3A_280, %not3A : i32
        %and3A = arith.andi %squeeze3A_294, %not3A_337 : i32
        %ne3A = arith.constant 0 : i32
        %ne3A_338 = arith.cmpi ne, %and3A, %ne3A : i32
        %eq3A_339 = arith.constant 0 : i32
        %eq3A_340 = arith.constant 0 : i32
        %eq3A_341 = arith.cmpi eq, %eq3A_339, %eq3A_340 : i32
        %and3A_342 = arith.andi %ne3A_338, %eq3A_341 : i1
        %neg3A = arith.constant 0 : i32
        %neg3A_343 = arith.subi %neg3A, %and3A : i32
        %and3A_344 = arith.andi %and3A, %neg3A_343 : i32
        %jit3A_345 = arith.constant 0 : i32
        %select_n3A_346 = arith.select %and3A_342, %and3A_344, %jit3A_345 : i32
        %jit3A_347 = arith.constant 0 : i32
        %jit3A_348 = arith.constant 0 : i32
        %select_n3A_349 = arith.select %and3A_342, %jit3A_347, %jit3A_348 : i32
        %ne3A_350 = arith.constant 0 : i32
        %ne3A_351 = arith.cmpi ne, %and3A, %ne3A_350 : i32
        %jit3A_352 = arith.constant 1 : i32
        %jit3A_353 = arith.constant 0 : i32
        %select_n3A_354 = arith.select %ne3A_351, %jit3A_352, %jit3A_353 : i32
        %not3A_355 = arith.constant -1 : i32
        %not3A_356 = arith.xori %scan3A_281, %not3A_355 : i32
        %and3A_357 = arith.andi %squeeze3A_300, %not3A_356 : i32
        %ne3A_358 = arith.constant 0 : i32
        %ne3A_359 = arith.cmpi ne, %and3A_357, %ne3A_358 : i32
        %eq3A_360 = arith.constant 0 : i32
        %eq3A_361 = arith.cmpi eq, %select_n3A_354, %eq3A_360 : i32
        %and3A_362 = arith.andi %ne3A_359, %eq3A_361 : i1
        %neg3A_363 = arith.constant 0 : i32
        %neg3A_364 = arith.subi %neg3A_363, %and3A_357 : i32
        %and3A_365 = arith.andi %and3A_357, %neg3A_364 : i32
        %jit3A_366 = arith.constant 0 : i32
        %select_n3A_367 = arith.select %and3A_362, %and3A_365, %jit3A_366 : i32
        %jit3A_368 = arith.constant 1 : i32
        %select_n3A_369 = arith.select %and3A_362, %jit3A_368, %select_n3A_349 : i32
        %ne3A_370 = arith.constant 0 : i32
        %ne3A_371 = arith.cmpi ne, %and3A_357, %ne3A_370 : i32
        %jit3A_372 = arith.constant 1 : i32
        %select_n3A_373 = arith.select %ne3A_371, %jit3A_372, %select_n3A_354 : i32
        %not3A_374 = arith.constant -1 : i32
        %not3A_375 = arith.xori %scan3A_282, %not3A_374 : i32
        %and3A_376 = arith.andi %squeeze3A_306, %not3A_375 : i32
        %ne3A_377 = arith.constant 0 : i32
        %ne3A_378 = arith.cmpi ne, %and3A_376, %ne3A_377 : i32
        %eq3A_379 = arith.constant 0 : i32
        %eq3A_380 = arith.cmpi eq, %select_n3A_373, %eq3A_379 : i32
        %and3A_381 = arith.andi %ne3A_378, %eq3A_380 : i1
        %neg3A_382 = arith.constant 0 : i32
        %neg3A_383 = arith.subi %neg3A_382, %and3A_376 : i32
        %and3A_384 = arith.andi %and3A_376, %neg3A_383 : i32
        %jit3A_385 = arith.constant 0 : i32
        %select_n3A_386 = arith.select %and3A_381, %and3A_384, %jit3A_385 : i32
        %jit3A_387 = arith.constant 2 : i32
        %select_n3A_388 = arith.select %and3A_381, %jit3A_387, %select_n3A_369 : i32
        %ne3A_389 = arith.constant 0 : i32
        %ne3A_390 = arith.cmpi ne, %and3A_376, %ne3A_389 : i32
        %jit3A_391 = arith.constant 1 : i32
        %select_n3A_392 = arith.select %ne3A_390, %jit3A_391, %select_n3A_373 : i32
        %not3A_393 = arith.constant -1 : i32
        %not3A_394 = arith.xori %scan3A_283, %not3A_393 : i32
        %and3A_395 = arith.andi %squeeze3A_312, %not3A_394 : i32
        %ne3A_396 = arith.constant 0 : i32
        %ne3A_397 = arith.cmpi ne, %and3A_395, %ne3A_396 : i32
        %eq3A_398 = arith.constant 0 : i32
        %eq3A_399 = arith.cmpi eq, %select_n3A_392, %eq3A_398 : i32
        %and3A_400 = arith.andi %ne3A_397, %eq3A_399 : i1
        %neg3A_401 = arith.constant 0 : i32
        %neg3A_402 = arith.subi %neg3A_401, %and3A_395 : i32
        %and3A_403 = arith.andi %and3A_395, %neg3A_402 : i32
        %jit3A_404 = arith.constant 0 : i32
        %select_n3A_405 = arith.select %and3A_400, %and3A_403, %jit3A_404 : i32
        %jit3A_406 = arith.constant 3 : i32
        %select_n3A_407 = arith.select %and3A_400, %jit3A_406, %select_n3A_388 : i32
        %ne3A_408 = arith.constant 0 : i32
        %ne3A_409 = arith.cmpi ne, %and3A_395, %ne3A_408 : i32
        %jit3A_410 = arith.constant 1 : i32
        %select_n3A_411 = arith.select %ne3A_409, %jit3A_410, %select_n3A_392 : i32
        %not3A_412 = arith.constant -1 : i32
        %not3A_413 = arith.xori %scan3A_284, %not3A_412 : i32
        %and3A_414 = arith.andi %squeeze3A_318, %not3A_413 : i32
        %ne3A_415 = arith.constant 0 : i32
        %ne3A_416 = arith.cmpi ne, %and3A_414, %ne3A_415 : i32
        %eq3A_417 = arith.constant 0 : i32
        %eq3A_418 = arith.cmpi eq, %select_n3A_411, %eq3A_417 : i32
        %and3A_419 = arith.andi %ne3A_416, %eq3A_418 : i1
        %neg3A_420 = arith.constant 0 : i32
        %neg3A_421 = arith.subi %neg3A_420, %and3A_414 : i32
        %and3A_422 = arith.andi %and3A_414, %neg3A_421 : i32
        %jit3A_423 = arith.constant 0 : i32
        %select_n3A_424 = arith.select %and3A_419, %and3A_422, %jit3A_423 : i32
        %jit3A_425 = arith.constant 4 : i32
        %select_n3A_426 = arith.select %and3A_419, %jit3A_425, %select_n3A_407 : i32
        %ne3A_427 = arith.constant 0 : i32
        %ne3A_428 = arith.cmpi ne, %and3A_414, %ne3A_427 : i32
        %jit3A_429 = arith.constant 1 : i32
        %select_n3A_430 = arith.select %ne3A_428, %jit3A_429, %select_n3A_411 : i32
        %not3A_431 = arith.constant -1 : i32
        %not3A_432 = arith.xori %scan3A_285, %not3A_431 : i32
        %and3A_433 = arith.andi %squeeze3A_324, %not3A_432 : i32
        %ne3A_434 = arith.constant 0 : i32
        %ne3A_435 = arith.cmpi ne, %and3A_433, %ne3A_434 : i32
        %eq3A_436 = arith.constant 0 : i32
        %eq3A_437 = arith.cmpi eq, %select_n3A_430, %eq3A_436 : i32
        %and3A_438 = arith.andi %ne3A_435, %eq3A_437 : i1
        %neg3A_439 = arith.constant 0 : i32
        %neg3A_440 = arith.subi %neg3A_439, %and3A_433 : i32
        %and3A_441 = arith.andi %and3A_433, %neg3A_440 : i32
        %jit3A_442 = arith.constant 0 : i32
        %select_n3A_443 = arith.select %and3A_438, %and3A_441, %jit3A_442 : i32
        %jit3A_444 = arith.constant 5 : i32
        %select_n3A_445 = arith.select %and3A_438, %jit3A_444, %select_n3A_426 : i32
        %ne3A_446 = arith.constant 0 : i32
        %ne3A_447 = arith.cmpi ne, %and3A_433, %ne3A_446 : i32
        %jit3A_448 = arith.constant 1 : i32
        %select_n3A_449 = arith.select %ne3A_447, %jit3A_448, %select_n3A_430 : i32
        %not3A_450 = arith.constant -1 : i32
        %not3A_451 = arith.xori %scan3A_286, %not3A_450 : i32
        %and3A_452 = arith.andi %squeeze3A_330, %not3A_451 : i32
        %ne3A_453 = arith.constant 0 : i32
        %ne3A_454 = arith.cmpi ne, %and3A_452, %ne3A_453 : i32
        %eq3A_455 = arith.constant 0 : i32
        %eq3A_456 = arith.cmpi eq, %select_n3A_449, %eq3A_455 : i32
        %and3A_457 = arith.andi %ne3A_454, %eq3A_456 : i1
        %neg3A_458 = arith.constant 0 : i32
        %neg3A_459 = arith.subi %neg3A_458, %and3A_452 : i32
        %and3A_460 = arith.andi %and3A_452, %neg3A_459 : i32
        %jit3A_461 = arith.constant 0 : i32
        %select_n3A_462 = arith.select %and3A_457, %and3A_460, %jit3A_461 : i32
        %jit3A_463 = arith.constant 6 : i32
        %select_n3A_464 = arith.select %and3A_457, %jit3A_463, %select_n3A_445 : i32
        %ne3A_465 = arith.constant 0 : i32
        %ne3A_466 = arith.cmpi ne, %and3A_452, %ne3A_465 : i32
        %jit3A_467 = arith.constant 1 : i32
        %select_n3A_468 = arith.select %ne3A_466, %jit3A_467, %select_n3A_449 : i32
        %not3A_469 = arith.constant -1 : i32
        %not3A_470 = arith.xori %scan3A_287, %not3A_469 : i32
        %and3A_471 = arith.andi %squeeze3A_336, %not3A_470 : i32
        %ne3A_472 = arith.constant 0 : i32
        %ne3A_473 = arith.cmpi ne, %and3A_471, %ne3A_472 : i32
        %eq3A_474 = arith.constant 0 : i32
        %eq3A_475 = arith.cmpi eq, %select_n3A_468, %eq3A_474 : i32
        %and3A_476 = arith.andi %ne3A_473, %eq3A_475 : i1
        %neg3A_477 = arith.constant 0 : i32
        %neg3A_478 = arith.subi %neg3A_477, %and3A_471 : i32
        %and3A_479 = arith.andi %and3A_471, %neg3A_478 : i32
        %jit3A_480 = arith.constant 0 : i32
        %select_n3A_481 = arith.select %and3A_476, %and3A_479, %jit3A_480 : i32
        %jit3A_482 = arith.constant 7 : i32
        %select_n3A_483 = arith.select %and3A_476, %jit3A_482, %select_n3A_464 : i32
        %ne3A_484 = arith.constant 0 : i32
        %ne3A_485 = arith.cmpi ne, %and3A_471, %ne3A_484 : i32
        %jit3A_486 = arith.constant 1 : i32
        %select_n3A_487 = arith.select %ne3A_485, %jit3A_486, %select_n3A_468 : i32
        %or3A = arith.ori %select_n3A_346, %select_n3A_367 : i32
        %or3A_488 = arith.ori %or3A, %select_n3A_386 : i32
        %or3A_489 = arith.ori %or3A_488, %select_n3A_405 : i32
        %or3A_490 = arith.ori %or3A_489, %select_n3A_424 : i32
        %or3A_491 = arith.ori %or3A_490, %select_n3A_443 : i32
        %or3A_492 = arith.ori %or3A_491, %select_n3A_462 : i32
        %or3A_493 = arith.ori %or3A_492, %select_n3A_481 : i32
        %xor3A = arith.xori %squeeze3A_294, %select_n3A_346 : i32
        %xor3A_494 = arith.xori %squeeze3A_300, %select_n3A_367 : i32
        %xor3A_495 = arith.xori %squeeze3A_306, %select_n3A_386 : i32
        %xor3A_496 = arith.xori %squeeze3A_312, %select_n3A_405 : i32
        %xor3A_497 = arith.xori %squeeze3A_318, %select_n3A_424 : i32
        %xor3A_498 = arith.xori %squeeze3A_324, %select_n3A_443 : i32
        %xor3A_499 = arith.xori %squeeze3A_330, %select_n3A_462 : i32
        %xor3A_500 = arith.xori %squeeze3A_336, %select_n3A_481 : i32
        %or3A_501 = arith.ori %scan3A_280, %select_n3A_346 : i32
        %or3A_502 = arith.ori %scan3A_281, %select_n3A_367 : i32
        %or3A_503 = arith.ori %scan3A_282, %select_n3A_386 : i32
        %or3A_504 = arith.ori %scan3A_283, %select_n3A_405 : i32
        %or3A_505 = arith.ori %scan3A_284, %select_n3A_424 : i32
        %or3A_506 = arith.ori %scan3A_285, %select_n3A_443 : i32
        %or3A_507 = arith.ori %scan3A_286, %select_n3A_462 : i32
        %or3A_508 = arith.ori %scan3A_287, %select_n3A_481 : i32
        %broadcast_in_dim3A_509 = vector.broadcast %scan3A_279 : i32 to vector<16xi32>
        %broadcast_in_dim3A_510 = vector.broadcast %select_n3A_487 : i32 to vector<16xi32>
        %eq3A_511 = arith.constant 0 : i32
        %eq3A_512 = vector.broadcast %eq3A_511 : i32 to vector<16xi32>
        %eq3A_513 = arith.cmpi eq, %iota3A, %eq3A_512 : vector<16xi32>
        tpu.vector_store_idx %arg14[%broadcast_in_dim3A_509], %broadcast_in_dim3A_510 masked %eq3A_513 : memref<528xi32, #tpu.memory_space<vmem>>[vector<16xi32>], vector<16xi32>, vector<16xi1>
        %broadcast_in_dim3A_514 = vector.broadcast %or3A_493 : i32 to vector<16xi32>
        %mul3A_515 = arith.constant 528 : i32
        %mul3A_516 = arith.muli %select_n3A_483, %mul3A_515 : i32
        %ne3A_517 = arith.constant 0 : i32
        %ne3A_518 = arith.cmpi ne, %select_n3A_487, %ne3A_517 : i32
        %convert_element_type3A_519 = arith.extui %ne3A_518 : i1 to i32
        %cond3A_520 = arith.constant 0 : i32
        %cond3A_521 = arith.cmpi ne, %convert_element_type3A_519, %cond3A_520 : i32
        scf.if %cond3A_521 {
          %jit3A_523 = arith.constant 16 : i32
          %div3A = arith.divsi %scan3A_279, %jit3A_523 : i32
          %sign3A = arith.constant 0 : i32
          %sign3A_524 = arith.cmpi sgt, %scan3A_279, %sign3A : i32
          %sign3A_525 = arith.extui %sign3A_524 : i1 to i32
          %sign3A_526 = arith.constant 0 : i32
          %sign3A_527 = arith.cmpi slt, %scan3A_279, %sign3A_526 : i32
          %sign3A_528 = arith.extui %sign3A_527 : i1 to i32
          %sign3A_529 = arith.subi %sign3A_525, %sign3A_528 : i32
          %sign3A_530 = arith.constant 0 : i32
          %sign3A_531 = arith.cmpi sgt, %jit3A_523, %sign3A_530 : i32
          %sign3A_532 = arith.extui %sign3A_531 : i1 to i32
          %sign3A_533 = arith.constant 0 : i32
          %sign3A_534 = arith.cmpi slt, %jit3A_523, %sign3A_533 : i32
          %sign3A_535 = arith.extui %sign3A_534 : i1 to i32
          %sign3A_536 = arith.subi %sign3A_532, %sign3A_535 : i32
          %ne3A_537 = arith.cmpi ne, %sign3A_529, %sign3A_536 : i32
          %rem3A = arith.remsi %scan3A_279, %jit3A_523 : i32
          %ne3A_538 = arith.constant 0 : i32
          %ne3A_539 = arith.cmpi ne, %rem3A, %ne3A_538 : i32
          %and3A_540 = arith.andi %ne3A_537, %ne3A_539 : i1
          %sub3A = arith.constant 1 : i32
          %sub3A_541 = arith.subi %div3A, %sub3A : i32
          %select_n3A_542 = arith.select %and3A_540, %sub3A_541, %div3A : i32
          %parallel_loop3A_543 = arith.constant 33 : i32
          %parallel_loop3A_544 = arith.constant 1 : i32
          scf.for %parallel_loop3A_545 = %select_n3A_542 to %parallel_loop3A_543 step %parallel_loop3A_544  : i32 {
            %parallel_loop3A_546 = arith.constant 16 : i32
            %parallel_loop3A_547 = arith.muli %parallel_loop3A_545, %parallel_loop3A_546 : i32
            %parallel_loop3A_548 = arith.constant 0 : i32
            %parallel_loop3A_549 = arith.addi %parallel_loop3A_548, %parallel_loop3A_547 : i32
            %parallel_loop3A_550 = arith.index_cast %parallel_loop3A_549 : i32 to index
            %parallel_loop3A_551 = tpu.vector_load %arg13[%parallel_loop3A_550] {strides = array<i32>} : memref<4224xi32, #tpu.memory_space<vmem>>, vector<16xi32>,
            %parallel_loop3A_552 = arith.constant 528 : i32
            %parallel_loop3A_553 = arith.addi %parallel_loop3A_552, %parallel_loop3A_547 : i32
            %parallel_loop3A_554 = arith.index_cast %parallel_loop3A_553 : i32 to index
            %parallel_loop3A_555 = tpu.vector_load %arg13[%parallel_loop3A_554] {strides = array<i32>} : memref<4224xi32, #tpu.memory_space<vmem>>, vector<16xi32>,
            %parallel_loop3A_556 = arith.constant 1056 : i32
            %parallel_loop3A_557 = arith.addi %parallel_loop3A_556, %parallel_loop3A_547 : i32
            %parallel_loop3A_558 = arith.index_cast %parallel_loop3A_557 : i32 to index
            %parallel_loop3A_559 = tpu.vector_load %arg13[%parallel_loop3A_558] {strides = array<i32>} : memref<4224xi32, #tpu.memory_space<vmem>>, vector<16xi32>,
            %parallel_loop3A_560 = arith.constant 1584 : i32
            %parallel_loop3A_561 = arith.addi %parallel_loop3A_560, %parallel_loop3A_547 : i32
            %parallel_loop3A_562 = arith.index_cast %parallel_loop3A_561 : i32 to index
            %parallel_loop3A_563 = tpu.vector_load %arg13[%parallel_loop3A_562] {strides = array<i32>} : memref<4224xi32, #tpu.memory_space<vmem>>, vector<16xi32>,
            %parallel_loop3A_564 = arith.constant 2112 : i32
            %parallel_loop3A_565 = arith.addi %parallel_loop3A_564, %parallel_loop3A_547 : i32
            %parallel_loop3A_566 = arith.index_cast %parallel_loop3A_565 : i32 to index
            %parallel_loop3A_567 = tpu.vector_load %arg13[%parallel_loop3A_566] {strides = array<i32>} : memref<4224xi32, #tpu.memory_space<vmem>>, vector<16xi32>,
            %parallel_loop3A_568 = arith.constant 2640 : i32
            %parallel_loop3A_569 = arith.addi %parallel_loop3A_568, %parallel_loop3A_547 : i32
            %parallel_loop3A_570 = arith.index_cast %parallel_loop3A_569 : i32 to index
            %parallel_loop3A_571 = tpu.vector_load %arg13[%parallel_loop3A_570] {strides = array<i32>} : memref<4224xi32, #tpu.memory_space<vmem>>, vector<16xi32>,
            %parallel_loop3A_572 = arith.constant 3168 : i32
            %parallel_loop3A_573 = arith.addi %parallel_loop3A_572, %parallel_loop3A_547 : i32
            %parallel_loop3A_574 = arith.index_cast %parallel_loop3A_573 : i32 to index
            %parallel_loop3A_575 = tpu.vector_load %arg13[%parallel_loop3A_574] {strides = array<i32>} : memref<4224xi32, #tpu.memory_space<vmem>>, vector<16xi32>,
            %parallel_loop3A_576 = arith.constant 3696 : i32
            %parallel_loop3A_577 = arith.addi %parallel_loop3A_576, %parallel_loop3A_547 : i32
            %parallel_loop3A_578 = arith.index_cast %parallel_loop3A_577 : i32 to index
            %parallel_loop3A_579 = tpu.vector_load %arg13[%parallel_loop3A_578] {strides = array<i32>} : memref<4224xi32, #tpu.memory_space<vmem>>, vector<16xi32>,
            %parallel_loop3A_580 = arith.addi %mul3A_516, %parallel_loop3A_547 : i32
            %parallel_loop3A_581 = arith.index_cast %parallel_loop3A_580 : i32 to index
            %parallel_loop3A_582 = tpu.vector_load %arg13[%parallel_loop3A_581] {strides = array<i32>} : memref<4224xi32, #tpu.memory_space<vmem>>, vector<16xi32>,
            %parallel_loop3A_583 = arith.andi %parallel_loop3A_582, %broadcast_in_dim3A_514 : vector<16xi32>
            %parallel_loop3A_584 = arith.constant 0 : i32
            %parallel_loop3A_585 = vector.broadcast %parallel_loop3A_584 : i32 to vector<16xi32>
            %parallel_loop3A_586 = arith.cmpi ne, %parallel_loop3A_583, %parallel_loop3A_585 : vector<16xi32>
            %parallel_loop3A_587 = vector.broadcast %xor3A : i32 to vector<16xi32>
            %parallel_loop3A_588 = arith.constant 0 : i32
            %parallel_loop3A_589 = vector.broadcast %parallel_loop3A_588 : i32 to vector<16xi32>
            %parallel_loop3A_590 = arith.select %parallel_loop3A_586, %parallel_loop3A_587, %parallel_loop3A_589 : vector<16xi1>, vector<16xi32>
            %parallel_loop3A_591 = arith.xori %parallel_loop3A_551, %parallel_loop3A_590 : vector<16xi32>
            %parallel_loop3A_592 = arith.constant 0 : i32
            %parallel_loop3A_593 = arith.addi %parallel_loop3A_592, %parallel_loop3A_547 : i32
            %parallel_loop3A_594 = arith.index_cast %parallel_loop3A_593 : i32 to index
            %parallel_loop3A_595 = tpu.vector_load %arg13[%parallel_loop3A_594] {strides = array<i32>} : memref<4224xi32, #tpu.memory_space<vmem>>, vector<16xi32>,
            tpu.vector_store %arg13[%parallel_loop3A_594], %parallel_loop3A_591 {strides = array<i32>} : memref<4224xi32, #tpu.memory_space<vmem>>, vector<16xi32>,
            %parallel_loop3A_596 = vector.broadcast %xor3A_494 : i32 to vector<16xi32>
            %parallel_loop3A_597 = arith.constant 0 : i32
            %parallel_loop3A_598 = vector.broadcast %parallel_loop3A_597 : i32 to vector<16xi32>
            %parallel_loop3A_599 = arith.select %parallel_loop3A_586, %parallel_loop3A_596, %parallel_loop3A_598 : vector<16xi1>, vector<16xi32>
            %parallel_loop3A_600 = arith.xori %parallel_loop3A_555, %parallel_loop3A_599 : vector<16xi32>
            %parallel_loop3A_601 = arith.constant 528 : i32
            %parallel_loop3A_602 = arith.addi %parallel_loop3A_601, %parallel_loop3A_547 : i32
            %parallel_loop3A_603 = arith.index_cast %parallel_loop3A_602 : i32 to index
            %parallel_loop3A_604 = tpu.vector_load %arg13[%parallel_loop3A_603] {strides = array<i32>} : memref<4224xi32, #tpu.memory_space<vmem>>, vector<16xi32>,
            tpu.vector_store %arg13[%parallel_loop3A_603], %parallel_loop3A_600 {strides = array<i32>} : memref<4224xi32, #tpu.memory_space<vmem>>, vector<16xi32>,
            %parallel_loop3A_605 = vector.broadcast %xor3A_495 : i32 to vector<16xi32>
            %parallel_loop3A_606 = arith.constant 0 : i32
            %parallel_loop3A_607 = vector.broadcast %parallel_loop3A_606 : i32 to vector<16xi32>
            %parallel_loop3A_608 = arith.select %parallel_loop3A_586, %parallel_loop3A_605, %parallel_loop3A_607 : vector<16xi1>, vector<16xi32>
            %parallel_loop3A_609 = arith.xori %parallel_loop3A_559, %parallel_loop3A_608 : vector<16xi32>
            %parallel_loop3A_610 = arith.constant 1056 : i32
            %parallel_loop3A_611 = arith.addi %parallel_loop3A_610, %parallel_loop3A_547 : i32
            %parallel_loop3A_612 = arith.index_cast %parallel_loop3A_611 : i32 to index
            %parallel_loop3A_613 = tpu.vector_load %arg13[%parallel_loop3A_612] {strides = array<i32>} : memref<4224xi32, #tpu.memory_space<vmem>>, vector<16xi32>,
            tpu.vector_store %arg13[%parallel_loop3A_612], %parallel_loop3A_609 {strides = array<i32>} : memref<4224xi32, #tpu.memory_space<vmem>>, vector<16xi32>,
            %parallel_loop3A_614 = vector.broadcast %xor3A_496 : i32 to vector<16xi32>
            %parallel_loop3A_615 = arith.constant 0 : i32
            %parallel_loop3A_616 = vector.broadcast %parallel_loop3A_615 : i32 to vector<16xi32>
            %parallel_loop3A_617 = arith.select %parallel_loop3A_586, %parallel_loop3A_614, %parallel_loop3A_616 : vector<16xi1>, vector<16xi32>
            %parallel_loop3A_618 = arith.xori %parallel_loop3A_563, %parallel_loop3A_617 : vector<16xi32>
            %parallel_loop3A_619 = arith.constant 1584 : i32
            %parallel_loop3A_620 = arith.addi %parallel_loop3A_619, %parallel_loop3A_547 : i32
            %parallel_loop3A_621 = arith.index_cast %parallel_loop3A_620 : i32 to index
            %parallel_loop3A_622 = tpu.vector_load %arg13[%parallel_loop3A_621] {strides = array<i32>} : memref<4224xi32, #tpu.memory_space<vmem>>, vector<16xi32>,
            tpu.vector_store %arg13[%parallel_loop3A_621], %parallel_loop3A_618 {strides = array<i32>} : memref<4224xi32, #tpu.memory_space<vmem>>, vector<16xi32>,
            %parallel_loop3A_623 = vector.broadcast %xor3A_497 : i32 to vector<16xi32>
            %parallel_loop3A_624 = arith.constant 0 : i32
            %parallel_loop3A_625 = vector.broadcast %parallel_loop3A_624 : i32 to vector<16xi32>
            %parallel_loop3A_626 = arith.select %parallel_loop3A_586, %parallel_loop3A_623, %parallel_loop3A_625 : vector<16xi1>, vector<16xi32>
            %parallel_loop3A_627 = arith.xori %parallel_loop3A_567, %parallel_loop3A_626 : vector<16xi32>
            %parallel_loop3A_628 = arith.constant 2112 : i32
            %parallel_loop3A_629 = arith.addi %parallel_loop3A_628, %parallel_loop3A_547 : i32
            %parallel_loop3A_630 = arith.index_cast %parallel_loop3A_629 : i32 to index
            %parallel_loop3A_631 = tpu.vector_load %arg13[%parallel_loop3A_630] {strides = array<i32>} : memref<4224xi32, #tpu.memory_space<vmem>>, vector<16xi32>,
            tpu.vector_store %arg13[%parallel_loop3A_630], %parallel_loop3A_627 {strides = array<i32>} : memref<4224xi32, #tpu.memory_space<vmem>>, vector<16xi32>,
            %parallel_loop3A_632 = vector.broadcast %xor3A_498 : i32 to vector<16xi32>
            %parallel_loop3A_633 = arith.constant 0 : i32
            %parallel_loop3A_634 = vector.broadcast %parallel_loop3A_633 : i32 to vector<16xi32>
            %parallel_loop3A_635 = arith.select %parallel_loop3A_586, %parallel_loop3A_632, %parallel_loop3A_634 : vector<16xi1>, vector<16xi32>
            %parallel_loop3A_636 = arith.xori %parallel_loop3A_571, %parallel_loop3A_635 : vector<16xi32>
            %parallel_loop3A_637 = arith.constant 2640 : i32
            %parallel_loop3A_638 = arith.addi %parallel_loop3A_637, %parallel_loop3A_547 : i32
            %parallel_loop3A_639 = arith.index_cast %parallel_loop3A_638 : i32 to index
            %parallel_loop3A_640 = tpu.vector_load %arg13[%parallel_loop3A_639] {strides = array<i32>} : memref<4224xi32, #tpu.memory_space<vmem>>, vector<16xi32>,
            tpu.vector_store %arg13[%parallel_loop3A_639], %parallel_loop3A_636 {strides = array<i32>} : memref<4224xi32, #tpu.memory_space<vmem>>, vector<16xi32>,
            %parallel_loop3A_641 = vector.broadcast %xor3A_499 : i32 to vector<16xi32>
            %parallel_loop3A_642 = arith.constant 0 : i32
            %parallel_loop3A_643 = vector.broadcast %parallel_loop3A_642 : i32 to vector<16xi32>
            %parallel_loop3A_644 = arith.select %parallel_loop3A_586, %parallel_loop3A_641, %parallel_loop3A_643 : vector<16xi1>, vector<16xi32>
            %parallel_loop3A_645 = arith.xori %parallel_loop3A_575, %parallel_loop3A_644 : vector<16xi32>
            %parallel_loop3A_646 = arith.constant 3168 : i32
            %parallel_loop3A_647 = arith.addi %parallel_loop3A_646, %parallel_loop3A_547 : i32
            %parallel_loop3A_648 = arith.index_cast %parallel_loop3A_647 : i32 to index
            %parallel_loop3A_649 = tpu.vector_load %arg13[%parallel_loop3A_648] {strides = array<i32>} : memref<4224xi32, #tpu.memory_space<vmem>>, vector<16xi32>,
            tpu.vector_store %arg13[%parallel_loop3A_648], %parallel_loop3A_645 {strides = array<i32>} : memref<4224xi32, #tpu.memory_space<vmem>>, vector<16xi32>,
            %parallel_loop3A_650 = vector.broadcast %xor3A_500 : i32 to vector<16xi32>
            %parallel_loop3A_651 = arith.constant 0 : i32
            %parallel_loop3A_652 = vector.broadcast %parallel_loop3A_651 : i32 to vector<16xi32>
            %parallel_loop3A_653 = arith.select %parallel_loop3A_586, %parallel_loop3A_650, %parallel_loop3A_652 : vector<16xi1>, vector<16xi32>
            %parallel_loop3A_654 = arith.xori %parallel_loop3A_579, %parallel_loop3A_653 : vector<16xi32>
            %parallel_loop3A_655 = arith.constant 3696 : i32
            %parallel_loop3A_656 = arith.addi %parallel_loop3A_655, %parallel_loop3A_547 : i32
            %parallel_loop3A_657 = arith.index_cast %parallel_loop3A_656 : i32 to index
            %parallel_loop3A_658 = tpu.vector_load %arg13[%parallel_loop3A_657] {strides = array<i32>} : memref<4224xi32, #tpu.memory_space<vmem>>, vector<16xi32>,
            tpu.vector_store %arg13[%parallel_loop3A_657], %parallel_loop3A_654 {strides = array<i32>} : memref<4224xi32, #tpu.memory_space<vmem>>, vector<16xi32>,
          } {sc.loop_unroll_factor = 2 : i64, sc.parallel_access}
        } else {
        }
        %add3A_522 = arith.addi %scan3A_288, %select_n3A_487 : i32
        scf.yield %or3A_501, %or3A_502, %or3A_503, %or3A_504, %or3A_505, %or3A_506, %or3A_507, %or3A_508, %add3A_522 : i32, i32, i32, i32, i32, i32, i32, i32, i32
      }
      %scan3A_226 = arith.constant 512 : i32
      %get3A_227 = arith.constant 512 : index
      %get3A_228 = tpu.vector_load %arg13[%get3A_227] {strides = array<i32>} : memref<4224xi32, #tpu.memory_space<vmem>>, vector<16xi32>,
      %slice3A = vector.extract_strided_slice %get3A_228 {offsets = [0], sizes = [1], strides = [1]} : vector<16xi32> to vector<1xi32>
      %squeeze3A = vector.extract %slice3A[0] : i32 from vector<1xi32>
      %get3A_229 = arith.constant 1040 : index
      %get3A_230 = tpu.vector_load %arg13[%get3A_229] {strides = array<i32>} : memref<4224xi32, #tpu.memory_space<vmem>>, vector<16xi32>,
      %slice3A_231 = vector.extract_strided_slice %get3A_230 {offsets = [0], sizes = [1], strides = [1]} : vector<16xi32> to vector<1xi32>
      %squeeze3A_232 = vector.extract %slice3A_231[0] : i32 from vector<1xi32>
      %get3A_233 = arith.constant 1568 : index
      %get3A_234 = tpu.vector_load %arg13[%get3A_233] {strides = array<i32>} : memref<4224xi32, #tpu.memory_space<vmem>>, vector<16xi32>,
      %slice3A_235 = vector.extract_strided_slice %get3A_234 {offsets = [0], sizes = [1], strides = [1]} : vector<16xi32> to vector<1xi32>
      %squeeze3A_236 = vector.extract %slice3A_235[0] : i32 from vector<1xi32>
      %get3A_237 = arith.constant 2096 : index
      %get3A_238 = tpu.vector_load %arg13[%get3A_237] {strides = array<i32>} : memref<4224xi32, #tpu.memory_space<vmem>>, vector<16xi32>,
      %slice3A_239 = vector.extract_strided_slice %get3A_238 {offsets = [0], sizes = [1], strides = [1]} : vector<16xi32> to vector<1xi32>
      %squeeze3A_240 = vector.extract %slice3A_239[0] : i32 from vector<1xi32>
      %get3A_241 = arith.constant 2624 : index
      %get3A_242 = tpu.vector_load %arg13[%get3A_241] {strides = array<i32>} : memref<4224xi32, #tpu.memory_space<vmem>>, vector<16xi32>,
      %slice3A_243 = vector.extract_strided_slice %get3A_242 {offsets = [0], sizes = [1], strides = [1]} : vector<16xi32> to vector<1xi32>
      %squeeze3A_244 = vector.extract %slice3A_243[0] : i32 from vector<1xi32>
      %get3A_245 = arith.constant 3152 : index
      %get3A_246 = tpu.vector_load %arg13[%get3A_245] {strides = array<i32>} : memref<4224xi32, #tpu.memory_space<vmem>>, vector<16xi32>,
      %slice3A_247 = vector.extract_strided_slice %get3A_246 {offsets = [0], sizes = [1], strides = [1]} : vector<16xi32> to vector<1xi32>
      %squeeze3A_248 = vector.extract %slice3A_247[0] : i32 from vector<1xi32>
      %get3A_249 = arith.constant 3680 : index
      %get3A_250 = tpu.vector_load %arg13[%get3A_249] {strides = array<i32>} : memref<4224xi32, #tpu.memory_space<vmem>>, vector<16xi32>,
      %slice3A_251 = vector.extract_strided_slice %get3A_250 {offsets = [0], sizes = [1], strides = [1]} : vector<16xi32> to vector<1xi32>
      %squeeze3A_252 = vector.extract %slice3A_251[0] : i32 from vector<1xi32>
      %get3A_253 = arith.constant 4208 : index
      %get3A_254 = tpu.vector_load %arg13[%get3A_253] {strides = array<i32>} : memref<4224xi32, #tpu.memory_space<vmem>>, vector<16xi32>,
      %slice3A_255 = vector.extract_strided_slice %get3A_254 {offsets = [0], sizes = [1], strides = [1]} : vector<16xi32> to vector<1xi32>
      %squeeze3A_256 = vector.extract %slice3A_255[0] : i32 from vector<1xi32>
      %parallel_loop3A_257 = arith.constant 0 : i32
      %parallel_loop3A_258 = arith.constant 32 : i32
      %parallel_loop3A_259 = arith.constant 1 : i32
      scf.for %parallel_loop3A_279 = %parallel_loop3A_257 to %parallel_loop3A_258 step %parallel_loop3A_259  : i32 {
        %parallel_loop3A_280 = arith.constant 16 : i32
        %parallel_loop3A_281 = arith.muli %parallel_loop3A_279, %parallel_loop3A_280 : i32
        %parallel_loop3A_282 = arith.constant 0 : i32
        %parallel_loop3A_283 = vector.broadcast %parallel_loop3A_282 : i32 to vector<16xi32>
        %parallel_loop3A_284 = arith.constant 0 : i32
        %parallel_loop3A_285 = arith.addi %parallel_loop3A_284, %parallel_loop3A_281 : i32
        %parallel_loop3A_286 = arith.index_cast %parallel_loop3A_285 : i32 to index
        %parallel_loop3A_287 = tpu.vector_load %arg13[%parallel_loop3A_286] {strides = array<i32>} : memref<4224xi32, #tpu.memory_space<vmem>>, vector<16xi32>,
        %parallel_loop3A_288 = vector.broadcast %squeeze3A : i32 to vector<16xi32>
        %parallel_loop3A_289 = arith.andi %parallel_loop3A_287, %parallel_loop3A_288 : vector<16xi32>
        %parallel_loop3A_290 = arith.constant 0 : i32
        %parallel_loop3A_291 = vector.broadcast %parallel_loop3A_290 : i32 to vector<16xi32>
        %parallel_loop3A_292 = arith.cmpi ne, %parallel_loop3A_289, %parallel_loop3A_291 : vector<16xi32>
        %parallel_loop3A_293 = arith.constant 1 : i32
        %parallel_loop3A_294 = arith.constant 0 : i32
        %parallel_loop3A_295 = vector.broadcast %parallel_loop3A_293 : i32 to vector<16xi32>
        %parallel_loop3A_296 = vector.broadcast %parallel_loop3A_294 : i32 to vector<16xi32>
        %parallel_loop3A_297 = arith.select %parallel_loop3A_292, %parallel_loop3A_295, %parallel_loop3A_296 : vector<16xi1>, vector<16xi32>
        %parallel_loop3A_298 = arith.ori %parallel_loop3A_283, %parallel_loop3A_297 : vector<16xi32>
        %parallel_loop3A_299 = arith.constant 528 : i32
        %parallel_loop3A_300 = arith.addi %parallel_loop3A_299, %parallel_loop3A_281 : i32
        %parallel_loop3A_301 = arith.index_cast %parallel_loop3A_300 : i32 to index
        %parallel_loop3A_302 = tpu.vector_load %arg13[%parallel_loop3A_301] {strides = array<i32>} : memref<4224xi32, #tpu.memory_space<vmem>>, vector<16xi32>,
        %parallel_loop3A_303 = vector.broadcast %squeeze3A_232 : i32 to vector<16xi32>
        %parallel_loop3A_304 = arith.andi %parallel_loop3A_302, %parallel_loop3A_303 : vector<16xi32>
        %parallel_loop3A_305 = arith.constant 0 : i32
        %parallel_loop3A_306 = vector.broadcast %parallel_loop3A_305 : i32 to vector<16xi32>
        %parallel_loop3A_307 = arith.cmpi ne, %parallel_loop3A_304, %parallel_loop3A_306 : vector<16xi32>
        %parallel_loop3A_308 = arith.constant 1 : i32
        %parallel_loop3A_309 = arith.constant 0 : i32
        %parallel_loop3A_310 = vector.broadcast %parallel_loop3A_308 : i32 to vector<16xi32>
        %parallel_loop3A_311 = vector.broadcast %parallel_loop3A_309 : i32 to vector<16xi32>
        %parallel_loop3A_312 = arith.select %parallel_loop3A_307, %parallel_loop3A_310, %parallel_loop3A_311 : vector<16xi1>, vector<16xi32>
        %parallel_loop3A_313 = arith.ori %parallel_loop3A_298, %parallel_loop3A_312 : vector<16xi32>
        %parallel_loop3A_314 = arith.constant 1056 : i32
        %parallel_loop3A_315 = arith.addi %parallel_loop3A_314, %parallel_loop3A_281 : i32
        %parallel_loop3A_316 = arith.index_cast %parallel_loop3A_315 : i32 to index
        %parallel_loop3A_317 = tpu.vector_load %arg13[%parallel_loop3A_316] {strides = array<i32>} : memref<4224xi32, #tpu.memory_space<vmem>>, vector<16xi32>,
        %parallel_loop3A_318 = vector.broadcast %squeeze3A_236 : i32 to vector<16xi32>
        %parallel_loop3A_319 = arith.andi %parallel_loop3A_317, %parallel_loop3A_318 : vector<16xi32>
        %parallel_loop3A_320 = arith.constant 0 : i32
        %parallel_loop3A_321 = vector.broadcast %parallel_loop3A_320 : i32 to vector<16xi32>
        %parallel_loop3A_322 = arith.cmpi ne, %parallel_loop3A_319, %parallel_loop3A_321 : vector<16xi32>
        %parallel_loop3A_323 = arith.constant 1 : i32
        %parallel_loop3A_324 = arith.constant 0 : i32
        %parallel_loop3A_325 = vector.broadcast %parallel_loop3A_323 : i32 to vector<16xi32>
        %parallel_loop3A_326 = vector.broadcast %parallel_loop3A_324 : i32 to vector<16xi32>
        %parallel_loop3A_327 = arith.select %parallel_loop3A_322, %parallel_loop3A_325, %parallel_loop3A_326 : vector<16xi1>, vector<16xi32>
        %parallel_loop3A_328 = arith.ori %parallel_loop3A_313, %parallel_loop3A_327 : vector<16xi32>
        %parallel_loop3A_329 = arith.constant 1584 : i32
        %parallel_loop3A_330 = arith.addi %parallel_loop3A_329, %parallel_loop3A_281 : i32
        %parallel_loop3A_331 = arith.index_cast %parallel_loop3A_330 : i32 to index
        %parallel_loop3A_332 = tpu.vector_load %arg13[%parallel_loop3A_331] {strides = array<i32>} : memref<4224xi32, #tpu.memory_space<vmem>>, vector<16xi32>,
        %parallel_loop3A_333 = vector.broadcast %squeeze3A_240 : i32 to vector<16xi32>
        %parallel_loop3A_334 = arith.andi %parallel_loop3A_332, %parallel_loop3A_333 : vector<16xi32>
        %parallel_loop3A_335 = arith.constant 0 : i32
        %parallel_loop3A_336 = vector.broadcast %parallel_loop3A_335 : i32 to vector<16xi32>
        %parallel_loop3A_337 = arith.cmpi ne, %parallel_loop3A_334, %parallel_loop3A_336 : vector<16xi32>
        %parallel_loop3A_338 = arith.constant 1 : i32
        %parallel_loop3A_339 = arith.constant 0 : i32
        %parallel_loop3A_340 = vector.broadcast %parallel_loop3A_338 : i32 to vector<16xi32>
        %parallel_loop3A_341 = vector.broadcast %parallel_loop3A_339 : i32 to vector<16xi32>
        %parallel_loop3A_342 = arith.select %parallel_loop3A_337, %parallel_loop3A_340, %parallel_loop3A_341 : vector<16xi1>, vector<16xi32>
        %parallel_loop3A_343 = arith.ori %parallel_loop3A_328, %parallel_loop3A_342 : vector<16xi32>
        %parallel_loop3A_344 = arith.constant 2112 : i32
        %parallel_loop3A_345 = arith.addi %parallel_loop3A_344, %parallel_loop3A_281 : i32
        %parallel_loop3A_346 = arith.index_cast %parallel_loop3A_345 : i32 to index
        %parallel_loop3A_347 = tpu.vector_load %arg13[%parallel_loop3A_346] {strides = array<i32>} : memref<4224xi32, #tpu.memory_space<vmem>>, vector<16xi32>,
        %parallel_loop3A_348 = vector.broadcast %squeeze3A_244 : i32 to vector<16xi32>
        %parallel_loop3A_349 = arith.andi %parallel_loop3A_347, %parallel_loop3A_348 : vector<16xi32>
        %parallel_loop3A_350 = arith.constant 0 : i32
        %parallel_loop3A_351 = vector.broadcast %parallel_loop3A_350 : i32 to vector<16xi32>
        %parallel_loop3A_352 = arith.cmpi ne, %parallel_loop3A_349, %parallel_loop3A_351 : vector<16xi32>
        %parallel_loop3A_353 = arith.constant 1 : i32
        %parallel_loop3A_354 = arith.constant 0 : i32
        %parallel_loop3A_355 = vector.broadcast %parallel_loop3A_353 : i32 to vector<16xi32>
        %parallel_loop3A_356 = vector.broadcast %parallel_loop3A_354 : i32 to vector<16xi32>
        %parallel_loop3A_357 = arith.select %parallel_loop3A_352, %parallel_loop3A_355, %parallel_loop3A_356 : vector<16xi1>, vector<16xi32>
        %parallel_loop3A_358 = arith.ori %parallel_loop3A_343, %parallel_loop3A_357 : vector<16xi32>
        %parallel_loop3A_359 = arith.constant 2640 : i32
        %parallel_loop3A_360 = arith.addi %parallel_loop3A_359, %parallel_loop3A_281 : i32
        %parallel_loop3A_361 = arith.index_cast %parallel_loop3A_360 : i32 to index
        %parallel_loop3A_362 = tpu.vector_load %arg13[%parallel_loop3A_361] {strides = array<i32>} : memref<4224xi32, #tpu.memory_space<vmem>>, vector<16xi32>,
        %parallel_loop3A_363 = vector.broadcast %squeeze3A_248 : i32 to vector<16xi32>
        %parallel_loop3A_364 = arith.andi %parallel_loop3A_362, %parallel_loop3A_363 : vector<16xi32>
        %parallel_loop3A_365 = arith.constant 0 : i32
        %parallel_loop3A_366 = vector.broadcast %parallel_loop3A_365 : i32 to vector<16xi32>
        %parallel_loop3A_367 = arith.cmpi ne, %parallel_loop3A_364, %parallel_loop3A_366 : vector<16xi32>
        %parallel_loop3A_368 = arith.constant 1 : i32
        %parallel_loop3A_369 = arith.constant 0 : i32
        %parallel_loop3A_370 = vector.broadcast %parallel_loop3A_368 : i32 to vector<16xi32>
        %parallel_loop3A_371 = vector.broadcast %parallel_loop3A_369 : i32 to vector<16xi32>
        %parallel_loop3A_372 = arith.select %parallel_loop3A_367, %parallel_loop3A_370, %parallel_loop3A_371 : vector<16xi1>, vector<16xi32>
        %parallel_loop3A_373 = arith.ori %parallel_loop3A_358, %parallel_loop3A_372 : vector<16xi32>
        %parallel_loop3A_374 = arith.constant 3168 : i32
        %parallel_loop3A_375 = arith.addi %parallel_loop3A_374, %parallel_loop3A_281 : i32
        %parallel_loop3A_376 = arith.index_cast %parallel_loop3A_375 : i32 to index
        %parallel_loop3A_377 = tpu.vector_load %arg13[%parallel_loop3A_376] {strides = array<i32>} : memref<4224xi32, #tpu.memory_space<vmem>>, vector<16xi32>,
        %parallel_loop3A_378 = vector.broadcast %squeeze3A_252 : i32 to vector<16xi32>
        %parallel_loop3A_379 = arith.andi %parallel_loop3A_377, %parallel_loop3A_378 : vector<16xi32>
        %parallel_loop3A_380 = arith.constant 0 : i32
        %parallel_loop3A_381 = vector.broadcast %parallel_loop3A_380 : i32 to vector<16xi32>
        %parallel_loop3A_382 = arith.cmpi ne, %parallel_loop3A_379, %parallel_loop3A_381 : vector<16xi32>
        %parallel_loop3A_383 = arith.constant 1 : i32
        %parallel_loop3A_384 = arith.constant 0 : i32
        %parallel_loop3A_385 = vector.broadcast %parallel_loop3A_383 : i32 to vector<16xi32>
        %parallel_loop3A_386 = vector.broadcast %parallel_loop3A_384 : i32 to vector<16xi32>
        %parallel_loop3A_387 = arith.select %parallel_loop3A_382, %parallel_loop3A_385, %parallel_loop3A_386 : vector<16xi1>, vector<16xi32>
        %parallel_loop3A_388 = arith.ori %parallel_loop3A_373, %parallel_loop3A_387 : vector<16xi32>
        %parallel_loop3A_389 = arith.constant 3696 : i32
        %parallel_loop3A_390 = arith.addi %parallel_loop3A_389, %parallel_loop3A_281 : i32
        %parallel_loop3A_391 = arith.index_cast %parallel_loop3A_390 : i32 to index
        %parallel_loop3A_392 = tpu.vector_load %arg13[%parallel_loop3A_391] {strides = array<i32>} : memref<4224xi32, #tpu.memory_space<vmem>>, vector<16xi32>,
        %parallel_loop3A_393 = vector.broadcast %squeeze3A_256 : i32 to vector<16xi32>
        %parallel_loop3A_394 = arith.andi %parallel_loop3A_392, %parallel_loop3A_393 : vector<16xi32>
        %parallel_loop3A_395 = arith.constant 0 : i32
        %parallel_loop3A_396 = vector.broadcast %parallel_loop3A_395 : i32 to vector<16xi32>
        %parallel_loop3A_397 = arith.cmpi ne, %parallel_loop3A_394, %parallel_loop3A_396 : vector<16xi32>
        %parallel_loop3A_398 = arith.constant 1 : i32
        %parallel_loop3A_399 = arith.constant 0 : i32
        %parallel_loop3A_400 = vector.broadcast %parallel_loop3A_398 : i32 to vector<16xi32>
        %parallel_loop3A_401 = vector.broadcast %parallel_loop3A_399 : i32 to vector<16xi32>
        %parallel_loop3A_402 = arith.select %parallel_loop3A_397, %parallel_loop3A_400, %parallel_loop3A_401 : vector<16xi1>, vector<16xi32>
        %parallel_loop3A_403 = arith.ori %parallel_loop3A_388, %parallel_loop3A_402 : vector<16xi32>
        %parallel_loop3A_404 = arith.index_cast %parallel_loop3A_281 : i32 to index
        %parallel_loop3A_405 = tpu.vector_load %arg14[%parallel_loop3A_404] {strides = array<i32>} : memref<528xi32, #tpu.memory_space<vmem>>, vector<16xi32>,
        %parallel_loop3A_406 = arith.constant 0 : i32
        %parallel_loop3A_407 = vector.broadcast %parallel_loop3A_406 : i32 to vector<16xi32>
        %parallel_loop3A_408 = arith.cmpi ne, %parallel_loop3A_405, %parallel_loop3A_407 : vector<16xi32>
        %parallel_loop3A_409 = arith.constant 0 : i32
        %parallel_loop3A_410 = vector.broadcast %parallel_loop3A_409 : i32 to vector<16xi32>
        %parallel_loop3A_411 = arith.select %parallel_loop3A_408, %parallel_loop3A_403, %parallel_loop3A_410 : vector<16xi1>, vector<16xi32>
        %parallel_loop3A_412 = arith.index_cast %parallel_loop3A_281 : i32 to index
        %parallel_loop3A_413 = tpu.vector_load %arg15[%parallel_loop3A_412] {strides = array<i32>} : memref<512xi32, #tpu.memory_space<vmem>>, vector<16xi32>,
        tpu.vector_store %arg15[%parallel_loop3A_412], %parallel_loop3A_411 {strides = array<i32>} : memref<512xi32, #tpu.memory_space<vmem>>, vector<16xi32>,
      } {sc.loop_unroll_factor = 2 : i64, sc.parallel_access}
      %eq3A_260 = vector.broadcast %add3A : i32 to vector<16xi32>
      %eq3A_261 = arith.cmpi eq, %iota3A, %eq3A_260 : vector<16xi32>
      %get3A_262 = arith.constant 0 : index
      %get3A_263 = tpu.vector_load %arg12[%get3A_262] {strides = array<i32>} : memref<16xi32, #tpu.memory_space<vmem>>, vector<16xi32>,
      %jit3A_264 = arith.constant 0 : i32
      %broadcast_in_dim3A_265 = vector.broadcast %jit3A_264 : i32 to vector<16xi32>
      %select_n3A_266 = arith.select %eq3A_261, %get3A_263, %broadcast_in_dim3A_265 : vector<16xi1>, vector<16xi32>
      %reduce_sum3A_267 = arith.constant true
      %reduce_sum3A_268 = vector.broadcast %reduce_sum3A_267 : i1 to vector<16xi1>
      %reduce_sum3A_269 = tpu.scan <sum>, %select_n3A_266 masked %reduce_sum3A_268 : vector<16xi32>, vector<16xi1> -> vector<16xi32>
      %reduce_sum3A_270 = vector.extract %reduce_sum3A_269[15] : i32 from vector<16xi32>
      %parallel_loop3A_271 = arith.constant 0 : i32
      %parallel_loop3A_272 = arith.constant 32 : i32
      %parallel_loop3A_273 = arith.constant 1 : i32
      scf.for %parallel_loop3A_279 = %parallel_loop3A_271 to %parallel_loop3A_272 step %parallel_loop3A_273  : i32 {
        %parallel_loop3A_280 = arith.constant 16 : i32
        %parallel_loop3A_281 = arith.muli %parallel_loop3A_279, %parallel_loop3A_280 : i32
        %parallel_loop3A_282 = arith.index_cast %parallel_loop3A_281 : i32 to index
        %parallel_loop3A_283 = tpu.vector_load %arg9[%parallel_loop3A_282] {strides = array<i32>} : memref<512xi32, #tpu.memory_space<vmem>>, vector<16xi32>,
        %parallel_loop3A_284 = tpu.vector_load_idx %arg15[%parallel_loop3A_283] : memref<512xi32, #tpu.memory_space<vmem>>[vector<16xi32>], vector<16xi32>,
        %parallel_loop3A_285 = vector.broadcast %reduce_sum3A_270 : i32 to vector<16xi32>
        %parallel_loop3A_286 = arith.constant 0 : i32
        %parallel_loop3A_287 = vector.broadcast %parallel_loop3A_286 : i32 to vector<16xi32>
        %parallel_loop3A_288 = arith.cmpi eq, %parallel_loop3A_285, %parallel_loop3A_287 : vector<16xi32>
        %parallel_loop3A_289 = arith.index_cast %parallel_loop3A_281 : i32 to index
        %parallel_loop3A_290 = tpu.vector_load %arg17[%parallel_loop3A_289] {strides = array<i32>} : memref<512xi32, #tpu.memory_space<vmem>>, vector<16xi32>,
        %parallel_loop3A_291 = arith.select %parallel_loop3A_288, %parallel_loop3A_284, %parallel_loop3A_290 : vector<16xi1>, vector<16xi32>
        %parallel_loop3A_292 = arith.index_cast %parallel_loop3A_281 : i32 to index
        %parallel_loop3A_293 = tpu.vector_load %arg16[%parallel_loop3A_292] {strides = array<i32>} : memref<512xi32, #tpu.memory_space<vmem>>, vector<16xi32>,
        tpu.vector_store %arg16[%parallel_loop3A_292], %parallel_loop3A_291 {strides = array<i32>} : memref<512xi32, #tpu.memory_space<vmem>>, vector<16xi32>,
      } {sc.loop_unroll_factor = 2 : i64, sc.parallel_access}
      "tpu.region"() ({
        %run_scoped3A = tpu.sem_alloc : memref<!tpu.dma_semaphore, #tpu.memory_space<semaphore_mem>>
        %dma_start3A = arith.constant 0 : i32
        %dma_start3A_279 = tpu.memref_slice %arg7[%add3A, %dma_start3A] : memref<16x512xi32, #tpu.memory_space<hbm>> -> memref<1x512xi32, #tpu.memory_space<hbm>>
        %dma_start3A_280 = tpu.memref_squeeze %dma_start3A_279 : memref<1x512xi32, #tpu.memory_space<hbm>> -> memref<512xi32, #tpu.memory_space<hbm>>
        %dma_start3A_281 = arith.constant 0 : i32
        %dma_start3A_282 = tpu.memref_slice %arg7[%add3A, %dma_start3A_281] : memref<16x512xi32, #tpu.memory_space<hbm>> -> memref<1x512xi32, #tpu.memory_space<hbm>>
        %dma_start3A_283 = tpu.memref_squeeze %dma_start3A_282 : memref<1x512xi32, #tpu.memory_space<hbm>> -> memref<512xi32, #tpu.memory_space<hbm>>
        tpu.enqueue_dma source(%arg16 : memref<512xi32, #tpu.memory_space<vmem>>) target(%dma_start3A_283 : memref<512xi32, #tpu.memory_space<hbm>>) target_semaphore(%run_scoped3A : memref<!tpu.dma_semaphore, #tpu.memory_space<semaphore_mem>>)
        %dma_wait3A = arith.constant 0 : i32
        %dma_wait3A_284 = tpu.memref_slice %arg7[%add3A, %dma_wait3A] : memref<16x512xi32, #tpu.memory_space<hbm>> -> memref<1x512xi32, #tpu.memory_space<hbm>>
        %dma_wait3A_285 = tpu.memref_squeeze %dma_wait3A_284 : memref<1x512xi32, #tpu.memory_space<hbm>> -> memref<512xi32, #tpu.memory_space<hbm>>
        %dma_wait3A_286 = arith.constant 0 : i32
        %dma_wait3A_287 = tpu.memref_slice %arg7[%add3A, %dma_wait3A_286] : memref<16x512xi32, #tpu.memory_space<hbm>> -> memref<1x512xi32, #tpu.memory_space<hbm>>
        %dma_wait3A_288 = tpu.memref_squeeze %dma_wait3A_287 : memref<1x512xi32, #tpu.memory_space<hbm>> -> memref<512xi32, #tpu.memory_space<hbm>>
        tpu.wait_dma2 semaphore(%run_scoped3A : memref<!tpu.dma_semaphore, #tpu.memory_space<semaphore_mem>>) src(%arg16 : memref<512xi32, #tpu.memory_space<vmem>>) dst(%dma_wait3A_288 : memref<512xi32, #tpu.memory_space<hbm>>)
        tpu.yield
      }) : () -> ()
      %eq3A_274 = arith.constant 0 : i32
      %eq3A_275 = arith.cmpi eq, %add3A, %eq3A_274 : i32
      %convert_element_type3A_276 = arith.extui %eq3A_275 : i1 to i32
      %cond3A_277 = arith.constant 0 : i32
      %cond3A_278 = arith.cmpi ne, %convert_element_type3A_276, %cond3A_277 : i32
      scf.if %cond3A_278 {
        %get3A_279 = arith.constant 0 : index
        %get3A_280 = tpu.vector_load %arg12[%get3A_279] {strides = array<i32>} : memref<16xi32, #tpu.memory_space<vmem>>, vector<16xi32>,
        %eq3A_281 = arith.constant 0 : i32
        %eq3A_282 = vector.broadcast %eq3A_281 : i32 to vector<16xi32>
        %eq3A_283 = arith.cmpi eq, %get3A_280, %eq3A_282 : vector<16xi32>
        %jit3A_284 = arith.constant 1 : i32
        %jit3A_285 = arith.constant 0 : i32
        %broadcast_in_dim3A_286 = vector.broadcast %jit3A_284 : i32 to vector<16xi32>
        %broadcast_in_dim3A_287 = vector.broadcast %jit3A_285 : i32 to vector<16xi32>
        %select_n3A_288 = arith.select %eq3A_283, %broadcast_in_dim3A_286, %broadcast_in_dim3A_287 : vector<16xi1>, vector<16xi32>
        %reduce_max3A = arith.constant true
        %reduce_max3A_289 = vector.broadcast %reduce_max3A : i1 to vector<16xi1>
        %reduce_max3A_290 = arith.constant -2147483648 : i32
        %reduce_max3A_291 = vector.broadcast %reduce_max3A_290 : i32 to vector<16xi32>
        %reduce_max3A_292 = arith.xori %select_n3A_288, %reduce_max3A_291 : vector<16xi32>
        %reduce_max3A_293 = tpu.scan <max>, %reduce_max3A_292 masked %reduce_max3A_289 : vector<16xi32>, vector<16xi1> -> vector<16xi32>
        %reduce_max3A_294 = arith.xori %reduce_max3A_293, %reduce_max3A_291 : vector<16xi32>
        %reduce_max3A_295 = vector.extract %reduce_max3A_294[15] : i32 from vector<16xi32>
        %gt3A = arith.constant 0 : i32
        %gt3A_296 = arith.cmpi sgt, %reduce_max3A_295, %gt3A : i32
        %jit3A_297 = arith.constant 0 : i32
        %select_n3A_298 = arith.select %gt3A_296, %scan3A_225#8, %jit3A_297 : i32
        %broadcast_in_dim3A_299 = vector.broadcast %select_n3A_298 : i32 to vector<16xi32>
        %swap3A_300 = arith.constant 0 : index
        %swap3A_301 = tpu.vector_load %arg18[%swap3A_300] {strides = array<i32>} : memref<16xi32, #tpu.memory_space<vmem>>, vector<16xi32>,
        tpu.vector_store %arg18[%swap3A_300], %broadcast_in_dim3A_299 {strides = array<i32>} : memref<16xi32, #tpu.memory_space<vmem>>, vector<16xi32>,
        "tpu.region"() ({
          %run_scoped3A = tpu.sem_alloc : memref<!tpu.dma_semaphore, #tpu.memory_space<semaphore_mem>>
          tpu.enqueue_dma source(%arg18 : memref<16xi32, #tpu.memory_space<vmem>>) target(%arg8 : memref<16xi32, #tpu.memory_space<hbm>>) target_semaphore(%run_scoped3A : memref<!tpu.dma_semaphore, #tpu.memory_space<semaphore_mem>>)
          tpu.wait_dma2 semaphore(%run_scoped3A : memref<!tpu.dma_semaphore, #tpu.memory_space<semaphore_mem>>) src(%arg18 : memref<16xi32, #tpu.memory_space<vmem>>) dst(%arg8 : memref<16xi32, #tpu.memory_space<hbm>>)
          tpu.yield
        }) : () -> ()
      } else {
      }
    } else {
    }
    return
  }
}

module attributes {stable_mosaic.version = 14 : i64} {
  func.func @_prep_body(%arg0: memref<16x512xf32, #tpu.memory_space<vmem>>, %arg1: memref<512x16xf32, #tpu.memory_space<vmem>>, %arg2: memref<256x512xf32, #tpu.memory_space<vmem>>, %arg3: memref<8x512xi32, #tpu.memory_space<vmem>>, %arg4: memref<16x512xi32, #tpu.memory_space<vmem>>) attributes {dimension_semantics = [], scalar_prefetch = 0 : i64, scratch_operands = 0 : i64, tpu.core_type = #tpu.core_type<tc>} {
    %iota3A = tpu.iota {dimensions = array<i32: 0>} : vector<32x256xi32>
    %iota3A_0 = tpu.iota {dimensions = array<i32: 1>} : vector<32x256xi32>
    %jit3A = arith.constant 8 : i32
    %eq3A = arith.constant 0 : i32
    %eq3A_1 = arith.cmpi eq, %jit3A, %eq3A : i32
    %jit3A_2 = arith.constant 1 : i32
    %select_n3A = arith.select %eq3A_1, %jit3A_2, %jit3A : i32
    %rem3A = vector.broadcast %select_n3A : i32 to vector<32x256xi32>
    %rem3A_3 = arith.remsi %iota3A, %rem3A : vector<32x256xi32>
    %ne3A = arith.constant 0 : i32
    %ne3A_4 = vector.broadcast %ne3A : i32 to vector<32x256xi32>
    %ne3A_5 = arith.cmpi ne, %rem3A_3, %ne3A_4 : vector<32x256xi32>
    %lt3A = arith.constant 0 : i32
    %lt3A_6 = vector.broadcast %lt3A : i32 to vector<32x256xi32>
    %lt3A_7 = arith.cmpi slt, %rem3A_3, %lt3A_6 : vector<32x256xi32>
    %lt3A_8 = arith.constant 0 : i32
    %lt3A_9 = arith.cmpi slt, %select_n3A, %lt3A_8 : i32
    %ne3A_10 = vector.broadcast %lt3A_9 : i1 to vector<32x256xi1>
    %ne3A_11 = vector.broadcast %ne3A_10 : vector<32x256xi1> to vector<32x256xi1>
    %ne3A_12 = arith.xori %lt3A_7, %ne3A_11 : vector<32x256xi1>
    %and3A = arith.andi %ne3A_12, %ne3A_5 : vector<32x256xi1>
    %add3A = vector.broadcast %select_n3A : i32 to vector<32x256xi32>
    %add3A_13 = arith.addi %rem3A_3, %add3A : vector<32x256xi32>
    %select_n3A_14 = arith.select %and3A, %add3A_13, %rem3A_3 : vector<32x256xi1>, vector<32x256xi32>
    %mul3A = arith.constant 32 : i32
    %mul3A_15 = vector.broadcast %mul3A : i32 to vector<32x256xi32>
    %mul3A_16 = arith.muli %mul3A_15, %select_n3A_14 : vector<32x256xi32>
    %jit3A_17 = arith.constant 8 : i32
    %div3A = vector.broadcast %jit3A_17 : i32 to vector<32x256xi32>
    %div3A_18 = arith.divsi %iota3A, %div3A : vector<32x256xi32>
    %sign3A = arith.constant 0 : i32
    %sign3A_19 = vector.broadcast %sign3A : i32 to vector<32x256xi32>
    %sign3A_20 = arith.cmpi sgt, %iota3A, %sign3A_19 : vector<32x256xi32>
    %sign3A_21 = arith.extui %sign3A_20 : vector<32x256xi1> to vector<32x256xi32>
    %sign3A_22 = arith.constant 0 : i32
    %sign3A_23 = vector.broadcast %sign3A_22 : i32 to vector<32x256xi32>
    %sign3A_24 = arith.cmpi slt, %iota3A, %sign3A_23 : vector<32x256xi32>
    %sign3A_25 = arith.extui %sign3A_24 : vector<32x256xi1> to vector<32x256xi32>
    %sign3A_26 = arith.subi %sign3A_21, %sign3A_25 : vector<32x256xi32>
    %sign3A_27 = arith.constant 0 : i32
    %sign3A_28 = arith.cmpi sgt, %jit3A_17, %sign3A_27 : i32
    %sign3A_29 = arith.extui %sign3A_28 : i1 to i32
    %sign3A_30 = arith.constant 0 : i32
    %sign3A_31 = arith.cmpi slt, %jit3A_17, %sign3A_30 : i32
    %sign3A_32 = arith.extui %sign3A_31 : i1 to i32
    %sign3A_33 = arith.subi %sign3A_29, %sign3A_32 : i32
    %ne3A_34 = vector.broadcast %sign3A_33 : i32 to vector<32x256xi32>
    %ne3A_35 = arith.cmpi ne, %sign3A_26, %ne3A_34 : vector<32x256xi32>
    %rem3A_36 = vector.broadcast %jit3A_17 : i32 to vector<32x256xi32>
    %rem3A_37 = arith.remsi %iota3A, %rem3A_36 : vector<32x256xi32>
    %ne3A_38 = arith.constant 0 : i32
    %ne3A_39 = vector.broadcast %ne3A_38 : i32 to vector<32x256xi32>
    %ne3A_40 = arith.cmpi ne, %rem3A_37, %ne3A_39 : vector<32x256xi32>
    %and3A_41 = arith.andi %ne3A_35, %ne3A_40 : vector<32x256xi1>
    %sub3A = arith.constant 1 : i32
    %sub3A_42 = vector.broadcast %sub3A : i32 to vector<32x256xi32>
    %sub3A_43 = arith.subi %div3A_18, %sub3A_42 : vector<32x256xi32>
    %select_n3A_44 = arith.select %and3A_41, %sub3A_43, %div3A_18 : vector<32x256xi1>, vector<32x256xi32>
    %mul3A_45 = arith.constant 8 : i32
    %mul3A_46 = vector.broadcast %mul3A_45 : i32 to vector<32x256xi32>
    %mul3A_47 = arith.muli %mul3A_46, %select_n3A_44 : vector<32x256xi32>
    %add3A_48 = arith.addi %mul3A_16, %mul3A_47 : vector<32x256xi32>
    %sub3A_49 = arith.subi %iota3A_0, %add3A_48 : vector<32x256xi32>
    %ge3A = arith.constant 0 : i32
    %ge3A_50 = vector.broadcast %ge3A : i32 to vector<32x256xi32>
    %ge3A_51 = arith.cmpi sge, %sub3A_49, %ge3A_50 : vector<32x256xi32>
    %lt3A_52 = arith.constant 8 : i32
    %lt3A_53 = vector.broadcast %lt3A_52 : i32 to vector<32x256xi32>
    %lt3A_54 = arith.cmpi slt, %sub3A_49, %lt3A_53 : vector<32x256xi32>
    %and3A_55 = arith.andi %ge3A_51, %lt3A_54 : vector<32x256xi1>
    %jit3A_56 = arith.constant 0 : i32
    %jit3A_57 = arith.constant 7 : i32
    %max3A = vector.broadcast %jit3A_56 : i32 to vector<32x256xi32>
    %max3A_58 = arith.maxsi %max3A, %sub3A_49 : vector<32x256xi32>
    %min3A = vector.broadcast %jit3A_57 : i32 to vector<32x256xi32>
    %min3A_59 = arith.minsi %min3A, %max3A_58 : vector<32x256xi32>
    %shift_left3A = arith.constant 1 : i32
    %shift_left3A_60 = vector.broadcast %shift_left3A : i32 to vector<32x256xi32>
    %shift_left3A_61 = arith.shli %shift_left3A_60, %min3A_59 : vector<32x256xi32>
    %jit3A_62 = arith.constant 0 : i32
    %broadcast_in_dim3A = vector.broadcast %jit3A_62 : i32 to vector<32x256xi32>
    %select_n3A_63 = arith.select %and3A_55, %shift_left3A_61, %broadcast_in_dim3A : vector<32x256xi1>, vector<32x256xi32>
    %convert_element_type3A = arith.sitofp %select_n3A_63 : vector<32x256xi32> to vector<32x256xf32>
    %get3A = arith.constant 0 : index
    %get3A_64 = arith.constant 0 : index
    %get3A_65 = vector.load %arg2[%get3A, %get3A_64] : memref<256x512xf32, #tpu.memory_space<vmem>>, vector<256x512xf32>
    %dot_general3A = arith.constant dense<0.000000e+00> : vector<32x512xf32>
    %dot_general3A_66 = tpu.matmul %convert_element_type3A, %get3A_65, %dot_general3A {dimension_numbers = #tpu.dot_dimension_numbers<[1], [0], [0], [1], [0, 0, 1, 1], [], []>, transpose_lhs_hint = false} : vector<32x256xf32>, vector<256x512xf32>, vector<32x512xf32> -> vector<32x512xf32>
    %convert_element_type3A_67 = arith.fptosi %dot_general3A_66 : vector<32x512xf32> to vector<32x512xi32>
    %slice3A = vector.extract_strided_slice %convert_element_type3A_67 {offsets = [0, 0], sizes = [8, 512], strides = [1, 1]} : vector<32x512xi32> to vector<8x512xi32>
    %slice3A_68 = vector.extract_strided_slice %convert_element_type3A_67 {offsets = [8, 0], sizes = [8, 512], strides = [1, 1]} : vector<32x512xi32> to vector<8x512xi32>
    %shift_left3A_69 = arith.constant 8 : i32
    %shift_left3A_70 = vector.broadcast %shift_left3A_69 : i32 to vector<8x512xi32>
    %shift_left3A_71 = arith.shli %slice3A_68, %shift_left3A_70 : vector<8x512xi32>
    %or3A = arith.ori %slice3A, %shift_left3A_71 : vector<8x512xi32>
    %slice3A_72 = vector.extract_strided_slice %convert_element_type3A_67 {offsets = [16, 0], sizes = [8, 512], strides = [1, 1]} : vector<32x512xi32> to vector<8x512xi32>
    %shift_left3A_73 = arith.constant 16 : i32
    %shift_left3A_74 = vector.broadcast %shift_left3A_73 : i32 to vector<8x512xi32>
    %shift_left3A_75 = arith.shli %slice3A_72, %shift_left3A_74 : vector<8x512xi32>
    %or3A_76 = arith.ori %or3A, %shift_left3A_75 : vector<8x512xi32>
    %slice3A_77 = vector.extract_strided_slice %convert_element_type3A_67 {offsets = [24, 0], sizes = [8, 512], strides = [1, 1]} : vector<32x512xi32> to vector<8x512xi32>
    %shift_left3A_78 = arith.constant 24 : i32
    %shift_left3A_79 = vector.broadcast %shift_left3A_78 : i32 to vector<8x512xi32>
    %shift_left3A_80 = arith.shli %slice3A_77, %shift_left3A_79 : vector<8x512xi32>
    %or3A_81 = arith.ori %or3A_76, %shift_left3A_80 : vector<8x512xi32>
    %swap3A = arith.constant 0 : index
    %swap3A_82 = arith.constant 0 : index
    %swap3A_83 = vector.load %arg3[%swap3A, %swap3A_82] : memref<8x512xi32, #tpu.memory_space<vmem>>, vector<8x512xi32>
    tpu.vector_store %arg3[%swap3A, %swap3A_82], %or3A_81 {strides = array<i32>} : memref<8x512xi32, #tpu.memory_space<vmem>>, vector<8x512xi32>,
    %iota3A_84 = tpu.iota {dimensions = array<i32: 1>} : vector<512x512xi32>
    %iota3A_85 = tpu.iota {dimensions = array<i32: 0>} : vector<512x512xi32>
    %get3A_86 = arith.constant 0 : index
    %get3A_87 = arith.constant 0 : index
    %get3A_88 = vector.load %arg0[%get3A_86, %get3A_87] : memref<16x512xf32, #tpu.memory_space<vmem>>, vector<1x512xf32>
    %get3A_89 = arith.constant 0 : index
    %get3A_90 = arith.constant 0 : index
    %get3A_91 = vector.load %arg1[%get3A_89, %get3A_90] : memref<512x16xf32, #tpu.memory_space<vmem>>, vector<512x1xf32>
    %lt3A_92 = vector.broadcast %get3A_91 : vector<512x1xf32> to vector<512x512xf32>
    %lt3A_93 = vector.broadcast %get3A_88 : vector<1x512xf32> to vector<512x512xf32>
    %lt3A_94 = arith.cmpf olt, %lt3A_92, %lt3A_93 : vector<512x512xf32>
    %eq3A_95 = vector.broadcast %get3A_91 : vector<512x1xf32> to vector<512x512xf32>
    %eq3A_96 = vector.broadcast %get3A_88 : vector<1x512xf32> to vector<512x512xf32>
    %eq3A_97 = arith.cmpf oeq, %eq3A_95, %eq3A_96 : vector<512x512xf32>
    %lt3A_98 = arith.cmpi slt, %iota3A_85, %iota3A_84 : vector<512x512xi32>
    %and3A_99 = arith.andi %eq3A_97, %lt3A_98 : vector<512x512xi1>
    %or3A_100 = arith.ori %lt3A_94, %and3A_99 : vector<512x512xi1>
    %convert_element_type3A_101 = arith.extui %or3A_100 : vector<512x512xi1> to vector<512x512xi32>
    %reduce_sum3A = arith.constant dense<0> : vector<512xi32>
    %reduce_sum3A_102 = vector.multi_reduction <add>, %convert_element_type3A_101, %reduce_sum3A [0] : vector<512x512xi32> to vector<512xi32>
    %broadcast_in_dim3A_103 = vector.shape_cast %reduce_sum3A_102 : vector<512xi32> to vector<1x512xi32>
    %swap3A_104 = arith.constant 0 : index
    %swap3A_105 = arith.constant 0 : index
    %swap3A_106 = vector.load %arg4[%swap3A_104, %swap3A_105] : memref<16x512xi32, #tpu.memory_space<vmem>>, vector<1x512xi32>
    tpu.vector_store %arg4[%swap3A_104, %swap3A_105], %broadcast_in_dim3A_103 {strides = array<i32>} : memref<16x512xi32, #tpu.memory_space<vmem>>, vector<1x512xi32>,
    %get3A_107 = arith.constant 1 : index
    %get3A_108 = arith.constant 0 : index
    %get3A_109 = vector.load %arg0[%get3A_107, %get3A_108] : memref<16x512xf32, #tpu.memory_space<vmem>>, vector<1x512xf32>
    %get3A_110 = arith.constant 0 : index
    %get3A_111 = arith.constant 1 : index
    %get3A_112 = vector.load %arg1[%get3A_110, %get3A_111] : memref<512x16xf32, #tpu.memory_space<vmem>>, vector<512x1xf32>
    %lt3A_113 = vector.broadcast %get3A_112 : vector<512x1xf32> to vector<512x512xf32>
    %lt3A_114 = vector.broadcast %get3A_109 : vector<1x512xf32> to vector<512x512xf32>
    %lt3A_115 = arith.cmpf olt, %lt3A_113, %lt3A_114 : vector<512x512xf32>
    %eq3A_116 = vector.broadcast %get3A_112 : vector<512x1xf32> to vector<512x512xf32>
    %eq3A_117 = vector.broadcast %get3A_109 : vector<1x512xf32> to vector<512x512xf32>
    %eq3A_118 = arith.cmpf oeq, %eq3A_116, %eq3A_117 : vector<512x512xf32>
    %lt3A_119 = arith.cmpi slt, %iota3A_85, %iota3A_84 : vector<512x512xi32>
    %and3A_120 = arith.andi %eq3A_118, %lt3A_119 : vector<512x512xi1>
    %or3A_121 = arith.ori %lt3A_115, %and3A_120 : vector<512x512xi1>
    %convert_element_type3A_122 = arith.extui %or3A_121 : vector<512x512xi1> to vector<512x512xi32>
    %reduce_sum3A_123 = arith.constant dense<0> : vector<512xi32>
    %reduce_sum3A_124 = vector.multi_reduction <add>, %convert_element_type3A_122, %reduce_sum3A_123 [0] : vector<512x512xi32> to vector<512xi32>
    %broadcast_in_dim3A_125 = vector.shape_cast %reduce_sum3A_124 : vector<512xi32> to vector<1x512xi32>
    %swap3A_126 = arith.constant 1 : index
    %swap3A_127 = arith.constant 0 : index
    %swap3A_128 = vector.load %arg4[%swap3A_126, %swap3A_127] : memref<16x512xi32, #tpu.memory_space<vmem>>, vector<1x512xi32>
    tpu.vector_store %arg4[%swap3A_126, %swap3A_127], %broadcast_in_dim3A_125 {strides = array<i32>} : memref<16x512xi32, #tpu.memory_space<vmem>>, vector<1x512xi32>,
    %get3A_129 = arith.constant 2 : index
    %get3A_130 = arith.constant 0 : index
    %get3A_131 = vector.load %arg0[%get3A_129, %get3A_130] : memref<16x512xf32, #tpu.memory_space<vmem>>, vector<1x512xf32>
    %get3A_132 = arith.constant 0 : index
    %get3A_133 = arith.constant 2 : index
    %get3A_134 = vector.load %arg1[%get3A_132, %get3A_133] : memref<512x16xf32, #tpu.memory_space<vmem>>, vector<512x1xf32>
    %lt3A_135 = vector.broadcast %get3A_134 : vector<512x1xf32> to vector<512x512xf32>
    %lt3A_136 = vector.broadcast %get3A_131 : vector<1x512xf32> to vector<512x512xf32>
    %lt3A_137 = arith.cmpf olt, %lt3A_135, %lt3A_136 : vector<512x512xf32>
    %eq3A_138 = vector.broadcast %get3A_134 : vector<512x1xf32> to vector<512x512xf32>
    %eq3A_139 = vector.broadcast %get3A_131 : vector<1x512xf32> to vector<512x512xf32>
    %eq3A_140 = arith.cmpf oeq, %eq3A_138, %eq3A_139 : vector<512x512xf32>
    %lt3A_141 = arith.cmpi slt, %iota3A_85, %iota3A_84 : vector<512x512xi32>
    %and3A_142 = arith.andi %eq3A_140, %lt3A_141 : vector<512x512xi1>
    %or3A_143 = arith.ori %lt3A_137, %and3A_142 : vector<512x512xi1>
    %convert_element_type3A_144 = arith.extui %or3A_143 : vector<512x512xi1> to vector<512x512xi32>
    %reduce_sum3A_145 = arith.constant dense<0> : vector<512xi32>
    %reduce_sum3A_146 = vector.multi_reduction <add>, %convert_element_type3A_144, %reduce_sum3A_145 [0] : vector<512x512xi32> to vector<512xi32>
    %broadcast_in_dim3A_147 = vector.shape_cast %reduce_sum3A_146 : vector<512xi32> to vector<1x512xi32>
    %swap3A_148 = arith.constant 2 : index
    %swap3A_149 = arith.constant 0 : index
    %swap3A_150 = vector.load %arg4[%swap3A_148, %swap3A_149] : memref<16x512xi32, #tpu.memory_space<vmem>>, vector<1x512xi32>
    tpu.vector_store %arg4[%swap3A_148, %swap3A_149], %broadcast_in_dim3A_147 {strides = array<i32>} : memref<16x512xi32, #tpu.memory_space<vmem>>, vector<1x512xi32>,
    %get3A_151 = arith.constant 3 : index
    %get3A_152 = arith.constant 0 : index
    %get3A_153 = vector.load %arg0[%get3A_151, %get3A_152] : memref<16x512xf32, #tpu.memory_space<vmem>>, vector<1x512xf32>
    %get3A_154 = arith.constant 0 : index
    %get3A_155 = arith.constant 3 : index
    %get3A_156 = vector.load %arg1[%get3A_154, %get3A_155] : memref<512x16xf32, #tpu.memory_space<vmem>>, vector<512x1xf32>
    %lt3A_157 = vector.broadcast %get3A_156 : vector<512x1xf32> to vector<512x512xf32>
    %lt3A_158 = vector.broadcast %get3A_153 : vector<1x512xf32> to vector<512x512xf32>
    %lt3A_159 = arith.cmpf olt, %lt3A_157, %lt3A_158 : vector<512x512xf32>
    %eq3A_160 = vector.broadcast %get3A_156 : vector<512x1xf32> to vector<512x512xf32>
    %eq3A_161 = vector.broadcast %get3A_153 : vector<1x512xf32> to vector<512x512xf32>
    %eq3A_162 = arith.cmpf oeq, %eq3A_160, %eq3A_161 : vector<512x512xf32>
    %lt3A_163 = arith.cmpi slt, %iota3A_85, %iota3A_84 : vector<512x512xi32>
    %and3A_164 = arith.andi %eq3A_162, %lt3A_163 : vector<512x512xi1>
    %or3A_165 = arith.ori %lt3A_159, %and3A_164 : vector<512x512xi1>
    %convert_element_type3A_166 = arith.extui %or3A_165 : vector<512x512xi1> to vector<512x512xi32>
    %reduce_sum3A_167 = arith.constant dense<0> : vector<512xi32>
    %reduce_sum3A_168 = vector.multi_reduction <add>, %convert_element_type3A_166, %reduce_sum3A_167 [0] : vector<512x512xi32> to vector<512xi32>
    %broadcast_in_dim3A_169 = vector.shape_cast %reduce_sum3A_168 : vector<512xi32> to vector<1x512xi32>
    %swap3A_170 = arith.constant 3 : index
    %swap3A_171 = arith.constant 0 : index
    %swap3A_172 = vector.load %arg4[%swap3A_170, %swap3A_171] : memref<16x512xi32, #tpu.memory_space<vmem>>, vector<1x512xi32>
    tpu.vector_store %arg4[%swap3A_170, %swap3A_171], %broadcast_in_dim3A_169 {strides = array<i32>} : memref<16x512xi32, #tpu.memory_space<vmem>>, vector<1x512xi32>,
    %get3A_173 = arith.constant 4 : index
    %get3A_174 = arith.constant 0 : index
    %get3A_175 = vector.load %arg0[%get3A_173, %get3A_174] : memref<16x512xf32, #tpu.memory_space<vmem>>, vector<1x512xf32>
    %get3A_176 = arith.constant 0 : index
    %get3A_177 = arith.constant 4 : index
    %get3A_178 = vector.load %arg1[%get3A_176, %get3A_177] : memref<512x16xf32, #tpu.memory_space<vmem>>, vector<512x1xf32>
    %lt3A_179 = vector.broadcast %get3A_178 : vector<512x1xf32> to vector<512x512xf32>
    %lt3A_180 = vector.broadcast %get3A_175 : vector<1x512xf32> to vector<512x512xf32>
    %lt3A_181 = arith.cmpf olt, %lt3A_179, %lt3A_180 : vector<512x512xf32>
    %eq3A_182 = vector.broadcast %get3A_178 : vector<512x1xf32> to vector<512x512xf32>
    %eq3A_183 = vector.broadcast %get3A_175 : vector<1x512xf32> to vector<512x512xf32>
    %eq3A_184 = arith.cmpf oeq, %eq3A_182, %eq3A_183 : vector<512x512xf32>
    %lt3A_185 = arith.cmpi slt, %iota3A_85, %iota3A_84 : vector<512x512xi32>
    %and3A_186 = arith.andi %eq3A_184, %lt3A_185 : vector<512x512xi1>
    %or3A_187 = arith.ori %lt3A_181, %and3A_186 : vector<512x512xi1>
    %convert_element_type3A_188 = arith.extui %or3A_187 : vector<512x512xi1> to vector<512x512xi32>
    %reduce_sum3A_189 = arith.constant dense<0> : vector<512xi32>
    %reduce_sum3A_190 = vector.multi_reduction <add>, %convert_element_type3A_188, %reduce_sum3A_189 [0] : vector<512x512xi32> to vector<512xi32>
    %broadcast_in_dim3A_191 = vector.shape_cast %reduce_sum3A_190 : vector<512xi32> to vector<1x512xi32>
    %swap3A_192 = arith.constant 4 : index
    %swap3A_193 = arith.constant 0 : index
    %swap3A_194 = vector.load %arg4[%swap3A_192, %swap3A_193] : memref<16x512xi32, #tpu.memory_space<vmem>>, vector<1x512xi32>
    tpu.vector_store %arg4[%swap3A_192, %swap3A_193], %broadcast_in_dim3A_191 {strides = array<i32>} : memref<16x512xi32, #tpu.memory_space<vmem>>, vector<1x512xi32>,
    %get3A_195 = arith.constant 5 : index
    %get3A_196 = arith.constant 0 : index
    %get3A_197 = vector.load %arg0[%get3A_195, %get3A_196] : memref<16x512xf32, #tpu.memory_space<vmem>>, vector<1x512xf32>
    %get3A_198 = arith.constant 0 : index
    %get3A_199 = arith.constant 5 : index
    %get3A_200 = vector.load %arg1[%get3A_198, %get3A_199] : memref<512x16xf32, #tpu.memory_space<vmem>>, vector<512x1xf32>
    %lt3A_201 = vector.broadcast %get3A_200 : vector<512x1xf32> to vector<512x512xf32>
    %lt3A_202 = vector.broadcast %get3A_197 : vector<1x512xf32> to vector<512x512xf32>
    %lt3A_203 = arith.cmpf olt, %lt3A_201, %lt3A_202 : vector<512x512xf32>
    %eq3A_204 = vector.broadcast %get3A_200 : vector<512x1xf32> to vector<512x512xf32>
    %eq3A_205 = vector.broadcast %get3A_197 : vector<1x512xf32> to vector<512x512xf32>
    %eq3A_206 = arith.cmpf oeq, %eq3A_204, %eq3A_205 : vector<512x512xf32>
    %lt3A_207 = arith.cmpi slt, %iota3A_85, %iota3A_84 : vector<512x512xi32>
    %and3A_208 = arith.andi %eq3A_206, %lt3A_207 : vector<512x512xi1>
    %or3A_209 = arith.ori %lt3A_203, %and3A_208 : vector<512x512xi1>
    %convert_element_type3A_210 = arith.extui %or3A_209 : vector<512x512xi1> to vector<512x512xi32>
    %reduce_sum3A_211 = arith.constant dense<0> : vector<512xi32>
    %reduce_sum3A_212 = vector.multi_reduction <add>, %convert_element_type3A_210, %reduce_sum3A_211 [0] : vector<512x512xi32> to vector<512xi32>
    %broadcast_in_dim3A_213 = vector.shape_cast %reduce_sum3A_212 : vector<512xi32> to vector<1x512xi32>
    %swap3A_214 = arith.constant 5 : index
    %swap3A_215 = arith.constant 0 : index
    %swap3A_216 = vector.load %arg4[%swap3A_214, %swap3A_215] : memref<16x512xi32, #tpu.memory_space<vmem>>, vector<1x512xi32>
    tpu.vector_store %arg4[%swap3A_214, %swap3A_215], %broadcast_in_dim3A_213 {strides = array<i32>} : memref<16x512xi32, #tpu.memory_space<vmem>>, vector<1x512xi32>,
    %get3A_217 = arith.constant 6 : index
    %get3A_218 = arith.constant 0 : index
    %get3A_219 = vector.load %arg0[%get3A_217, %get3A_218] : memref<16x512xf32, #tpu.memory_space<vmem>>, vector<1x512xf32>
    %get3A_220 = arith.constant 0 : index
    %get3A_221 = arith.constant 6 : index
    %get3A_222 = vector.load %arg1[%get3A_220, %get3A_221] : memref<512x16xf32, #tpu.memory_space<vmem>>, vector<512x1xf32>
    %lt3A_223 = vector.broadcast %get3A_222 : vector<512x1xf32> to vector<512x512xf32>
    %lt3A_224 = vector.broadcast %get3A_219 : vector<1x512xf32> to vector<512x512xf32>
    %lt3A_225 = arith.cmpf olt, %lt3A_223, %lt3A_224 : vector<512x512xf32>
    %eq3A_226 = vector.broadcast %get3A_222 : vector<512x1xf32> to vector<512x512xf32>
    %eq3A_227 = vector.broadcast %get3A_219 : vector<1x512xf32> to vector<512x512xf32>
    %eq3A_228 = arith.cmpf oeq, %eq3A_226, %eq3A_227 : vector<512x512xf32>
    %lt3A_229 = arith.cmpi slt, %iota3A_85, %iota3A_84 : vector<512x512xi32>
    %and3A_230 = arith.andi %eq3A_228, %lt3A_229 : vector<512x512xi1>
    %or3A_231 = arith.ori %lt3A_225, %and3A_230 : vector<512x512xi1>
    %convert_element_type3A_232 = arith.extui %or3A_231 : vector<512x512xi1> to vector<512x512xi32>
    %reduce_sum3A_233 = arith.constant dense<0> : vector<512xi32>
    %reduce_sum3A_234 = vector.multi_reduction <add>, %convert_element_type3A_232, %reduce_sum3A_233 [0] : vector<512x512xi32> to vector<512xi32>
    %broadcast_in_dim3A_235 = vector.shape_cast %reduce_sum3A_234 : vector<512xi32> to vector<1x512xi32>
    %swap3A_236 = arith.constant 6 : index
    %swap3A_237 = arith.constant 0 : index
    %swap3A_238 = vector.load %arg4[%swap3A_236, %swap3A_237] : memref<16x512xi32, #tpu.memory_space<vmem>>, vector<1x512xi32>
    tpu.vector_store %arg4[%swap3A_236, %swap3A_237], %broadcast_in_dim3A_235 {strides = array<i32>} : memref<16x512xi32, #tpu.memory_space<vmem>>, vector<1x512xi32>,
    %get3A_239 = arith.constant 7 : index
    %get3A_240 = arith.constant 0 : index
    %get3A_241 = vector.load %arg0[%get3A_239, %get3A_240] : memref<16x512xf32, #tpu.memory_space<vmem>>, vector<1x512xf32>
    %get3A_242 = arith.constant 0 : index
    %get3A_243 = arith.constant 7 : index
    %get3A_244 = vector.load %arg1[%get3A_242, %get3A_243] : memref<512x16xf32, #tpu.memory_space<vmem>>, vector<512x1xf32>
    %lt3A_245 = vector.broadcast %get3A_244 : vector<512x1xf32> to vector<512x512xf32>
    %lt3A_246 = vector.broadcast %get3A_241 : vector<1x512xf32> to vector<512x512xf32>
    %lt3A_247 = arith.cmpf olt, %lt3A_245, %lt3A_246 : vector<512x512xf32>
    %eq3A_248 = vector.broadcast %get3A_244 : vector<512x1xf32> to vector<512x512xf32>
    %eq3A_249 = vector.broadcast %get3A_241 : vector<1x512xf32> to vector<512x512xf32>
    %eq3A_250 = arith.cmpf oeq, %eq3A_248, %eq3A_249 : vector<512x512xf32>
    %lt3A_251 = arith.cmpi slt, %iota3A_85, %iota3A_84 : vector<512x512xi32>
    %and3A_252 = arith.andi %eq3A_250, %lt3A_251 : vector<512x512xi1>
    %or3A_253 = arith.ori %lt3A_247, %and3A_252 : vector<512x512xi1>
    %convert_element_type3A_254 = arith.extui %or3A_253 : vector<512x512xi1> to vector<512x512xi32>
    %reduce_sum3A_255 = arith.constant dense<0> : vector<512xi32>
    %reduce_sum3A_256 = vector.multi_reduction <add>, %convert_element_type3A_254, %reduce_sum3A_255 [0] : vector<512x512xi32> to vector<512xi32>
    %broadcast_in_dim3A_257 = vector.shape_cast %reduce_sum3A_256 : vector<512xi32> to vector<1x512xi32>
    %swap3A_258 = arith.constant 7 : index
    %swap3A_259 = arith.constant 0 : index
    %swap3A_260 = vector.load %arg4[%swap3A_258, %swap3A_259] : memref<16x512xi32, #tpu.memory_space<vmem>>, vector<1x512xi32>
    tpu.vector_store %arg4[%swap3A_258, %swap3A_259], %broadcast_in_dim3A_257 {strides = array<i32>} : memref<16x512xi32, #tpu.memory_space<vmem>>, vector<1x512xi32>,
    %get3A_261 = arith.constant 8 : index
    %get3A_262 = arith.constant 0 : index
    %get3A_263 = vector.load %arg0[%get3A_261, %get3A_262] : memref<16x512xf32, #tpu.memory_space<vmem>>, vector<1x512xf32>
    %get3A_264 = arith.constant 0 : index
    %get3A_265 = arith.constant 8 : index
    %get3A_266 = vector.load %arg1[%get3A_264, %get3A_265] : memref<512x16xf32, #tpu.memory_space<vmem>>, vector<512x1xf32>
    %lt3A_267 = vector.broadcast %get3A_266 : vector<512x1xf32> to vector<512x512xf32>
    %lt3A_268 = vector.broadcast %get3A_263 : vector<1x512xf32> to vector<512x512xf32>
    %lt3A_269 = arith.cmpf olt, %lt3A_267, %lt3A_268 : vector<512x512xf32>
    %eq3A_270 = vector.broadcast %get3A_266 : vector<512x1xf32> to vector<512x512xf32>
    %eq3A_271 = vector.broadcast %get3A_263 : vector<1x512xf32> to vector<512x512xf32>
    %eq3A_272 = arith.cmpf oeq, %eq3A_270, %eq3A_271 : vector<512x512xf32>
    %lt3A_273 = arith.cmpi slt, %iota3A_85, %iota3A_84 : vector<512x512xi32>
    %and3A_274 = arith.andi %eq3A_272, %lt3A_273 : vector<512x512xi1>
    %or3A_275 = arith.ori %lt3A_269, %and3A_274 : vector<512x512xi1>
    %convert_element_type3A_276 = arith.extui %or3A_275 : vector<512x512xi1> to vector<512x512xi32>
    %reduce_sum3A_277 = arith.constant dense<0> : vector<512xi32>
    %reduce_sum3A_278 = vector.multi_reduction <add>, %convert_element_type3A_276, %reduce_sum3A_277 [0] : vector<512x512xi32> to vector<512xi32>
    %broadcast_in_dim3A_279 = vector.shape_cast %reduce_sum3A_278 : vector<512xi32> to vector<1x512xi32>
    %swap3A_280 = arith.constant 8 : index
    %swap3A_281 = arith.constant 0 : index
    %swap3A_282 = vector.load %arg4[%swap3A_280, %swap3A_281] : memref<16x512xi32, #tpu.memory_space<vmem>>, vector<1x512xi32>
    tpu.vector_store %arg4[%swap3A_280, %swap3A_281], %broadcast_in_dim3A_279 {strides = array<i32>} : memref<16x512xi32, #tpu.memory_space<vmem>>, vector<1x512xi32>,
    %get3A_283 = arith.constant 9 : index
    %get3A_284 = arith.constant 0 : index
    %get3A_285 = vector.load %arg0[%get3A_283, %get3A_284] : memref<16x512xf32, #tpu.memory_space<vmem>>, vector<1x512xf32>
    %get3A_286 = arith.constant 0 : index
    %get3A_287 = arith.constant 9 : index
    %get3A_288 = vector.load %arg1[%get3A_286, %get3A_287] : memref<512x16xf32, #tpu.memory_space<vmem>>, vector<512x1xf32>
    %lt3A_289 = vector.broadcast %get3A_288 : vector<512x1xf32> to vector<512x512xf32>
    %lt3A_290 = vector.broadcast %get3A_285 : vector<1x512xf32> to vector<512x512xf32>
    %lt3A_291 = arith.cmpf olt, %lt3A_289, %lt3A_290 : vector<512x512xf32>
    %eq3A_292 = vector.broadcast %get3A_288 : vector<512x1xf32> to vector<512x512xf32>
    %eq3A_293 = vector.broadcast %get3A_285 : vector<1x512xf32> to vector<512x512xf32>
    %eq3A_294 = arith.cmpf oeq, %eq3A_292, %eq3A_293 : vector<512x512xf32>
    %lt3A_295 = arith.cmpi slt, %iota3A_85, %iota3A_84 : vector<512x512xi32>
    %and3A_296 = arith.andi %eq3A_294, %lt3A_295 : vector<512x512xi1>
    %or3A_297 = arith.ori %lt3A_291, %and3A_296 : vector<512x512xi1>
    %convert_element_type3A_298 = arith.extui %or3A_297 : vector<512x512xi1> to vector<512x512xi32>
    %reduce_sum3A_299 = arith.constant dense<0> : vector<512xi32>
    %reduce_sum3A_300 = vector.multi_reduction <add>, %convert_element_type3A_298, %reduce_sum3A_299 [0] : vector<512x512xi32> to vector<512xi32>
    %broadcast_in_dim3A_301 = vector.shape_cast %reduce_sum3A_300 : vector<512xi32> to vector<1x512xi32>
    %swap3A_302 = arith.constant 9 : index
    %swap3A_303 = arith.constant 0 : index
    %swap3A_304 = vector.load %arg4[%swap3A_302, %swap3A_303] : memref<16x512xi32, #tpu.memory_space<vmem>>, vector<1x512xi32>
    tpu.vector_store %arg4[%swap3A_302, %swap3A_303], %broadcast_in_dim3A_301 {strides = array<i32>} : memref<16x512xi32, #tpu.memory_space<vmem>>, vector<1x512xi32>,
    %get3A_305 = arith.constant 10 : index
    %get3A_306 = arith.constant 0 : index
    %get3A_307 = vector.load %arg0[%get3A_305, %get3A_306] : memref<16x512xf32, #tpu.memory_space<vmem>>, vector<1x512xf32>
    %get3A_308 = arith.constant 0 : index
    %get3A_309 = arith.constant 10 : index
    %get3A_310 = vector.load %arg1[%get3A_308, %get3A_309] : memref<512x16xf32, #tpu.memory_space<vmem>>, vector<512x1xf32>
    %lt3A_311 = vector.broadcast %get3A_310 : vector<512x1xf32> to vector<512x512xf32>
    %lt3A_312 = vector.broadcast %get3A_307 : vector<1x512xf32> to vector<512x512xf32>
    %lt3A_313 = arith.cmpf olt, %lt3A_311, %lt3A_312 : vector<512x512xf32>
    %eq3A_314 = vector.broadcast %get3A_310 : vector<512x1xf32> to vector<512x512xf32>
    %eq3A_315 = vector.broadcast %get3A_307 : vector<1x512xf32> to vector<512x512xf32>
    %eq3A_316 = arith.cmpf oeq, %eq3A_314, %eq3A_315 : vector<512x512xf32>
    %lt3A_317 = arith.cmpi slt, %iota3A_85, %iota3A_84 : vector<512x512xi32>
    %and3A_318 = arith.andi %eq3A_316, %lt3A_317 : vector<512x512xi1>
    %or3A_319 = arith.ori %lt3A_313, %and3A_318 : vector<512x512xi1>
    %convert_element_type3A_320 = arith.extui %or3A_319 : vector<512x512xi1> to vector<512x512xi32>
    %reduce_sum3A_321 = arith.constant dense<0> : vector<512xi32>
    %reduce_sum3A_322 = vector.multi_reduction <add>, %convert_element_type3A_320, %reduce_sum3A_321 [0] : vector<512x512xi32> to vector<512xi32>
    %broadcast_in_dim3A_323 = vector.shape_cast %reduce_sum3A_322 : vector<512xi32> to vector<1x512xi32>
    %swap3A_324 = arith.constant 10 : index
    %swap3A_325 = arith.constant 0 : index
    %swap3A_326 = vector.load %arg4[%swap3A_324, %swap3A_325] : memref<16x512xi32, #tpu.memory_space<vmem>>, vector<1x512xi32>
    tpu.vector_store %arg4[%swap3A_324, %swap3A_325], %broadcast_in_dim3A_323 {strides = array<i32>} : memref<16x512xi32, #tpu.memory_space<vmem>>, vector<1x512xi32>,
    %get3A_327 = arith.constant 11 : index
    %get3A_328 = arith.constant 0 : index
    %get3A_329 = vector.load %arg0[%get3A_327, %get3A_328] : memref<16x512xf32, #tpu.memory_space<vmem>>, vector<1x512xf32>
    %get3A_330 = arith.constant 0 : index
    %get3A_331 = arith.constant 11 : index
    %get3A_332 = vector.load %arg1[%get3A_330, %get3A_331] : memref<512x16xf32, #tpu.memory_space<vmem>>, vector<512x1xf32>
    %lt3A_333 = vector.broadcast %get3A_332 : vector<512x1xf32> to vector<512x512xf32>
    %lt3A_334 = vector.broadcast %get3A_329 : vector<1x512xf32> to vector<512x512xf32>
    %lt3A_335 = arith.cmpf olt, %lt3A_333, %lt3A_334 : vector<512x512xf32>
    %eq3A_336 = vector.broadcast %get3A_332 : vector<512x1xf32> to vector<512x512xf32>
    %eq3A_337 = vector.broadcast %get3A_329 : vector<1x512xf32> to vector<512x512xf32>
    %eq3A_338 = arith.cmpf oeq, %eq3A_336, %eq3A_337 : vector<512x512xf32>
    %lt3A_339 = arith.cmpi slt, %iota3A_85, %iota3A_84 : vector<512x512xi32>
    %and3A_340 = arith.andi %eq3A_338, %lt3A_339 : vector<512x512xi1>
    %or3A_341 = arith.ori %lt3A_335, %and3A_340 : vector<512x512xi1>
    %convert_element_type3A_342 = arith.extui %or3A_341 : vector<512x512xi1> to vector<512x512xi32>
    %reduce_sum3A_343 = arith.constant dense<0> : vector<512xi32>
    %reduce_sum3A_344 = vector.multi_reduction <add>, %convert_element_type3A_342, %reduce_sum3A_343 [0] : vector<512x512xi32> to vector<512xi32>
    %broadcast_in_dim3A_345 = vector.shape_cast %reduce_sum3A_344 : vector<512xi32> to vector<1x512xi32>
    %swap3A_346 = arith.constant 11 : index
    %swap3A_347 = arith.constant 0 : index
    %swap3A_348 = vector.load %arg4[%swap3A_346, %swap3A_347] : memref<16x512xi32, #tpu.memory_space<vmem>>, vector<1x512xi32>
    tpu.vector_store %arg4[%swap3A_346, %swap3A_347], %broadcast_in_dim3A_345 {strides = array<i32>} : memref<16x512xi32, #tpu.memory_space<vmem>>, vector<1x512xi32>,
    %get3A_349 = arith.constant 12 : index
    %get3A_350 = arith.constant 0 : index
    %get3A_351 = vector.load %arg0[%get3A_349, %get3A_350] : memref<16x512xf32, #tpu.memory_space<vmem>>, vector<1x512xf32>
    %get3A_352 = arith.constant 0 : index
    %get3A_353 = arith.constant 12 : index
    %get3A_354 = vector.load %arg1[%get3A_352, %get3A_353] : memref<512x16xf32, #tpu.memory_space<vmem>>, vector<512x1xf32>
    %lt3A_355 = vector.broadcast %get3A_354 : vector<512x1xf32> to vector<512x512xf32>
    %lt3A_356 = vector.broadcast %get3A_351 : vector<1x512xf32> to vector<512x512xf32>
    %lt3A_357 = arith.cmpf olt, %lt3A_355, %lt3A_356 : vector<512x512xf32>
    %eq3A_358 = vector.broadcast %get3A_354 : vector<512x1xf32> to vector<512x512xf32>
    %eq3A_359 = vector.broadcast %get3A_351 : vector<1x512xf32> to vector<512x512xf32>
    %eq3A_360 = arith.cmpf oeq, %eq3A_358, %eq3A_359 : vector<512x512xf32>
    %lt3A_361 = arith.cmpi slt, %iota3A_85, %iota3A_84 : vector<512x512xi32>
    %and3A_362 = arith.andi %eq3A_360, %lt3A_361 : vector<512x512xi1>
    %or3A_363 = arith.ori %lt3A_357, %and3A_362 : vector<512x512xi1>
    %convert_element_type3A_364 = arith.extui %or3A_363 : vector<512x512xi1> to vector<512x512xi32>
    %reduce_sum3A_365 = arith.constant dense<0> : vector<512xi32>
    %reduce_sum3A_366 = vector.multi_reduction <add>, %convert_element_type3A_364, %reduce_sum3A_365 [0] : vector<512x512xi32> to vector<512xi32>
    %broadcast_in_dim3A_367 = vector.shape_cast %reduce_sum3A_366 : vector<512xi32> to vector<1x512xi32>
    %swap3A_368 = arith.constant 12 : index
    %swap3A_369 = arith.constant 0 : index
    %swap3A_370 = vector.load %arg4[%swap3A_368, %swap3A_369] : memref<16x512xi32, #tpu.memory_space<vmem>>, vector<1x512xi32>
    tpu.vector_store %arg4[%swap3A_368, %swap3A_369], %broadcast_in_dim3A_367 {strides = array<i32>} : memref<16x512xi32, #tpu.memory_space<vmem>>, vector<1x512xi32>,
    %get3A_371 = arith.constant 13 : index
    %get3A_372 = arith.constant 0 : index
    %get3A_373 = vector.load %arg0[%get3A_371, %get3A_372] : memref<16x512xf32, #tpu.memory_space<vmem>>, vector<1x512xf32>
    %get3A_374 = arith.constant 0 : index
    %get3A_375 = arith.constant 13 : index
    %get3A_376 = vector.load %arg1[%get3A_374, %get3A_375] : memref<512x16xf32, #tpu.memory_space<vmem>>, vector<512x1xf32>
    %lt3A_377 = vector.broadcast %get3A_376 : vector<512x1xf32> to vector<512x512xf32>
    %lt3A_378 = vector.broadcast %get3A_373 : vector<1x512xf32> to vector<512x512xf32>
    %lt3A_379 = arith.cmpf olt, %lt3A_377, %lt3A_378 : vector<512x512xf32>
    %eq3A_380 = vector.broadcast %get3A_376 : vector<512x1xf32> to vector<512x512xf32>
    %eq3A_381 = vector.broadcast %get3A_373 : vector<1x512xf32> to vector<512x512xf32>
    %eq3A_382 = arith.cmpf oeq, %eq3A_380, %eq3A_381 : vector<512x512xf32>
    %lt3A_383 = arith.cmpi slt, %iota3A_85, %iota3A_84 : vector<512x512xi32>
    %and3A_384 = arith.andi %eq3A_382, %lt3A_383 : vector<512x512xi1>
    %or3A_385 = arith.ori %lt3A_379, %and3A_384 : vector<512x512xi1>
    %convert_element_type3A_386 = arith.extui %or3A_385 : vector<512x512xi1> to vector<512x512xi32>
    %reduce_sum3A_387 = arith.constant dense<0> : vector<512xi32>
    %reduce_sum3A_388 = vector.multi_reduction <add>, %convert_element_type3A_386, %reduce_sum3A_387 [0] : vector<512x512xi32> to vector<512xi32>
    %broadcast_in_dim3A_389 = vector.shape_cast %reduce_sum3A_388 : vector<512xi32> to vector<1x512xi32>
    %swap3A_390 = arith.constant 13 : index
    %swap3A_391 = arith.constant 0 : index
    %swap3A_392 = vector.load %arg4[%swap3A_390, %swap3A_391] : memref<16x512xi32, #tpu.memory_space<vmem>>, vector<1x512xi32>
    tpu.vector_store %arg4[%swap3A_390, %swap3A_391], %broadcast_in_dim3A_389 {strides = array<i32>} : memref<16x512xi32, #tpu.memory_space<vmem>>, vector<1x512xi32>,
    %get3A_393 = arith.constant 14 : index
    %get3A_394 = arith.constant 0 : index
    %get3A_395 = vector.load %arg0[%get3A_393, %get3A_394] : memref<16x512xf32, #tpu.memory_space<vmem>>, vector<1x512xf32>
    %get3A_396 = arith.constant 0 : index
    %get3A_397 = arith.constant 14 : index
    %get3A_398 = vector.load %arg1[%get3A_396, %get3A_397] : memref<512x16xf32, #tpu.memory_space<vmem>>, vector<512x1xf32>
    %lt3A_399 = vector.broadcast %get3A_398 : vector<512x1xf32> to vector<512x512xf32>
    %lt3A_400 = vector.broadcast %get3A_395 : vector<1x512xf32> to vector<512x512xf32>
    %lt3A_401 = arith.cmpf olt, %lt3A_399, %lt3A_400 : vector<512x512xf32>
    %eq3A_402 = vector.broadcast %get3A_398 : vector<512x1xf32> to vector<512x512xf32>
    %eq3A_403 = vector.broadcast %get3A_395 : vector<1x512xf32> to vector<512x512xf32>
    %eq3A_404 = arith.cmpf oeq, %eq3A_402, %eq3A_403 : vector<512x512xf32>
    %lt3A_405 = arith.cmpi slt, %iota3A_85, %iota3A_84 : vector<512x512xi32>
    %and3A_406 = arith.andi %eq3A_404, %lt3A_405 : vector<512x512xi1>
    %or3A_407 = arith.ori %lt3A_401, %and3A_406 : vector<512x512xi1>
    %convert_element_type3A_408 = arith.extui %or3A_407 : vector<512x512xi1> to vector<512x512xi32>
    %reduce_sum3A_409 = arith.constant dense<0> : vector<512xi32>
    %reduce_sum3A_410 = vector.multi_reduction <add>, %convert_element_type3A_408, %reduce_sum3A_409 [0] : vector<512x512xi32> to vector<512xi32>
    %broadcast_in_dim3A_411 = vector.shape_cast %reduce_sum3A_410 : vector<512xi32> to vector<1x512xi32>
    %swap3A_412 = arith.constant 14 : index
    %swap3A_413 = arith.constant 0 : index
    %swap3A_414 = vector.load %arg4[%swap3A_412, %swap3A_413] : memref<16x512xi32, #tpu.memory_space<vmem>>, vector<1x512xi32>
    tpu.vector_store %arg4[%swap3A_412, %swap3A_413], %broadcast_in_dim3A_411 {strides = array<i32>} : memref<16x512xi32, #tpu.memory_space<vmem>>, vector<1x512xi32>,
    %get3A_415 = arith.constant 15 : index
    %get3A_416 = arith.constant 0 : index
    %get3A_417 = vector.load %arg0[%get3A_415, %get3A_416] : memref<16x512xf32, #tpu.memory_space<vmem>>, vector<1x512xf32>
    %get3A_418 = arith.constant 0 : index
    %get3A_419 = arith.constant 15 : index
    %get3A_420 = vector.load %arg1[%get3A_418, %get3A_419] : memref<512x16xf32, #tpu.memory_space<vmem>>, vector<512x1xf32>
    %lt3A_421 = vector.broadcast %get3A_420 : vector<512x1xf32> to vector<512x512xf32>
    %lt3A_422 = vector.broadcast %get3A_417 : vector<1x512xf32> to vector<512x512xf32>
    %lt3A_423 = arith.cmpf olt, %lt3A_421, %lt3A_422 : vector<512x512xf32>
    %eq3A_424 = vector.broadcast %get3A_420 : vector<512x1xf32> to vector<512x512xf32>
    %eq3A_425 = vector.broadcast %get3A_417 : vector<1x512xf32> to vector<512x512xf32>
    %eq3A_426 = arith.cmpf oeq, %eq3A_424, %eq3A_425 : vector<512x512xf32>
    %lt3A_427 = arith.cmpi slt, %iota3A_85, %iota3A_84 : vector<512x512xi32>
    %and3A_428 = arith.andi %eq3A_426, %lt3A_427 : vector<512x512xi1>
    %or3A_429 = arith.ori %lt3A_423, %and3A_428 : vector<512x512xi1>
    %convert_element_type3A_430 = arith.extui %or3A_429 : vector<512x512xi1> to vector<512x512xi32>
    %reduce_sum3A_431 = arith.constant dense<0> : vector<512xi32>
    %reduce_sum3A_432 = vector.multi_reduction <add>, %convert_element_type3A_430, %reduce_sum3A_431 [0] : vector<512x512xi32> to vector<512xi32>
    %broadcast_in_dim3A_433 = vector.shape_cast %reduce_sum3A_432 : vector<512xi32> to vector<1x512xi32>
    %swap3A_434 = arith.constant 15 : index
    %swap3A_435 = arith.constant 0 : index
    %swap3A_436 = vector.load %arg4[%swap3A_434, %swap3A_435] : memref<16x512xi32, #tpu.memory_space<vmem>>, vector<1x512xi32>
    tpu.vector_store %arg4[%swap3A_434, %swap3A_435], %broadcast_in_dim3A_433 {strides = array<i32>} : memref<16x512xi32, #tpu.memory_space<vmem>>, vector<1x512xi32>,
    return
  }
}

</mosaic_0001>

<sc_bundles>
// kernel: kernel.4.cloned.1.call-start
scs
__scs_entry_jumppad:
0x0: {  	(pc) =	sbr.rel $0x88, $3  }
0x1: {  	(tag) =	ssettag $0x0;
	lr =	simm.s32 $0x1  }
0x2: {  	[smem:$0x3F9C] =	sst lr;
	_ =	strace $0xD0000000  }
0x3: {  	_ = 	snop  }
0x4: {  	_ = 	snop  }
0x5: {  	_ = 	snop  }
0x6: {  	_ = 	snop  }
0x7: {  	_ = 	snop  }
__scs_overlays_trampoline_lowered:
0x8: {  	[smem:$0x3FAB] =	sst s0  }
0x9: {  	[smem:$0x3FAC] =	sst s1  }
0xa: {  	[smem:$0x3FAD] =	sst s2  }
0xb: {  	[smem:$0x3FAE] =	sst s3  }
0xc: {  	[smem:$0x3FAF] =	sst s4  }
0xd: {  	[smem:$0x3FB0] =	sst s5  }
0xe: {  	[smem:$0x3FB1] =	sst s6  }
0xf: {  	[smem:$0x3FB2] =	sst s7  }
0x10: {  	[smem:$0x3FB3] =	sst s8  }
0x11: {  	[smem:$0x3FB4] =	sst s9;
	s0 =	simm.s32 @!p0 $0x0  }
0x12: {  	s1 =	sld [smem:$0x3F9A];
	s0 =	simm.s32 @p0 $0x1  }
0x13: {  	[smem:$0x3FB5] =	sst s0;
	s0 =	simm.s32 @!p1 $0x0  }
0x14: {  	s2 =	sld [smem:$0x3F99];
	s0 =	simm.s32 @p1 $0x1  }
0x15: {  	[smem:$0x3FB6] =	sst s0;
	s0 =	simm.s32 @!p2 $0x0  }
0x16: {  	s3 =	sld [smem:$0x3FDB];
	s0 =	simm.s32 @p2 $0x1  }
0x17: {  	s4 =	simm.s32 $0x1BF5;
	[smem:$0x3FB8] =	sst s0  }
0x18: {  	s0 =	sld [smem:$0x3F9B];
	_ =	swait.ge [sflag:s4], $0x0  }
0x19: {  	s7 =	sld [smem:$0x3F9C]  }
0x1a: {  	s8 =	sadd.s32 $0xFFFFE003, lr  }
0x1b: {  	s9 =	sadd.s32 $0xFFFFFEF7, lr;
	s5 =	simm.s32 $0xFFFFFFFF;
	p2 =	slt.u32 s8, $0xFFFFF086  }
0x1c: {  	p1 =	slt.u32 s9, $0xF7A;
	s5 =	simm.s32 @!p2 $0x0  }
0x1d: {  	s5 =	simm.s32 @p1 $0x1;
	p0 =	seq.s32 s7, s2  }
0x1e: {  	s7 =	smul.u32 @!p0 $0xF7A, s2;
	p2 =	seq.s32 @!p0 s5, $0x0  }
0x1f: {  	s9 =	smul.u32 $0xF7A, s1;
	s8 =	simm.s32 @!p0 $0x1BF5;
	p2 =	por !p2, p0  }
0x20: {  	[sflag:s8] =	ssyncset.s32 @!p0 $0xFFFFF086;
	s6 =	sadd.s32 @!p0 s3, s7;
	s7 =	simm.s32 @!p0 $0x108  }
0x21: {  	s3 =	sadd.s32 s3, s9;
	s6 =	sadd.s32 @!p0 $0x88, s6;
	s7 =	simm.s32 @p2 $0x1082  }
0x22: {  	[simem:s7], [sflag:s8] =	dma.local @!p0 [hbm:s6], $0xF7A  }
0x23: {  	s9 =	sor.u32 $0xD0000000, s2;
	s6 =	simm.s32 $0x108;
	_ =	swait.ge @!p0 [sflag:s8], $0x0  }
0x24: {  	s3 =	sadd.s32 $0x88, s3;
	s6 =	simm.s32 @!p1 $0x1082;
	[sflag:s4] =	ssyncset.s32 $0xFFFFF086  }
0x25: {  	[simem:s6], [sflag:s4] =	dma.local [hbm:s3], $0xF7A  }
0x26: {  	[smem:$0x3F9C] =	sst s1;
	(tag) =	ssettag s2;
	_ =	strace s9  }
0x27: {  	s1 =	sld [smem:$0x3FAC]  }
0x28: {  	s2 =	sld [smem:$0x3FAD]  }
0x29: {  	s4 =	sld [smem:$0x3FAF]  }
0x2a: {  	p0 =	seq.s32 s5, $0x0;
	s5 =	sld [smem:$0x3FB0]  }
0x2b: {  	s6 =	sld [smem:$0x3FB1]  }
0x2c: {  	s7 =	sld [smem:$0x3FB2]  }
0x2d: {  	s3 =	simm.s32 $0x108;
	s8 =	sld [smem:$0x3FB3]  }
0x2e: {  	s3 =	simm.s32 @!p0 $0x1082;
	s9 =	sld [smem:$0x3FB4]  }
0x2f: {  	lr =	sadd.s32 s0, s3;
	s0 =	sld [smem:$0x3FAB]  }
0x30: {  	s3 =	sld [smem:$0x3FAE]  }
0x31: {  	[smem:$0x3FB7] =	sst s10  }
0x32: {  	s10 =	sld [smem:$0x3FB5];
	_ =	sdelay $0x3  }
0x33: {  	p0 =	seq.s32 s10, $0x1;
	s10 =	sld [smem:$0x3FB7];
	_ =	sdelay $0x3  }
0x34: {  	[smem:$0x3FB7] =	sst s10  }
0x35: {  	s10 =	sld [smem:$0x3FB6];
	_ =	sdelay $0x3  }
0x36: {  	p1 =	seq.s32 s10, $0x1;
	s10 =	sld [smem:$0x3FB7];
	_ =	sdelay $0x3  }
0x37: {  	[smem:$0x3FB7] =	sst s10  }
0x38: {  	s10 =	sld [smem:$0x3FB8]  }
0x39: {  	_ = 	snop;
	(pc) =	sbr.ind lr, $3  }
0x3a: {  	_ = 	snop  }
0x3b: {  	_ = 	snop  }
0x3c: {  	p2 =	seq.s32 s10, $0x1;
	s10 =	sld [smem:$0x3FB7]  }
0x3d: {  	_ =	shalt  }
0x3e: {  	_ =	shalt  }
0x3f: {  	_ =	shalt  }
0x40: {  	_ =	shalt  }
0x41: {  	_ =	shalt  }
0x42: {  	_ =	shalt  }
0x43: {  	_ =	shalt  }
0x44: {  	_ =	shalt  }
0x45: {  	_ =	shalt  }
0x46: {  	_ =	shalt  }
0x47: {  	_ =	shalt  }
0x48: {  	_ =	shalt  }
0x49: {  	_ =	shalt  }
0x4a: {  	_ =	shalt  }
0x4b: {  	_ =	shalt  }
0x4c: {  	_ =	shalt  }
0x4d: {  	_ =	shalt  }
0x4e: {  	_ =	shalt  }
0x4f: {  	_ =	shalt  }
0x50: {  	_ =	shalt  }
0x51: {  	_ =	shalt  }
0x52: {  	_ =	shalt  }
0x53: {  	_ =	shalt  }
0x54: {  	_ =	shalt  }
0x55: {  	_ =	shalt  }
0x56: {  	_ =	shalt  }
0x57: {  	_ =	shalt  }
0x58: {  	_ =	shalt  }
0x59: {  	_ =	shalt  }
0x5a: {  	_ =	shalt  }
0x5b: {  	_ =	shalt  }
0x5c: {  	_ =	shalt  }
0x5d: {  	_ =	shalt  }
0x5e: {  	_ =	shalt  }
0x5f: {  	_ =	shalt  }
0x60: {  	_ =	shalt  }
0x61: {  	_ =	shalt  }
0x62: {  	_ =	shalt  }
0x63: {  	_ =	shalt  }
0x64: {  	_ =	shalt  }
0x65: {  	_ =	shalt  }
0x66: {  	_ =	shalt  }
0x67: {  	_ =	shalt  }
0x68: {  	_ =	shalt  }
0x69: {  	_ =	shalt  }
0x6a: {  	_ =	shalt  }
0x6b: {  	_ =	shalt  }
0x6c: {  	_ =	shalt  }
0x6d: {  	_ =	shalt  }
0x6e: {  	_ =	shalt  }
0x6f: {  	_ =	shalt  }
0x70: {  	_ =	shalt  }
0x71: {  	_ =	shalt  }
0x72: {  	_ =	shalt  }
0x73: {  	_ =	shalt  }
0x74: {  	_ =	shalt  }
0x75: {  	_ =	shalt  }
0x76: {  	_ =	shalt  }
0x77: {  	_ =	shalt  }
0x78: {  	_ =	shalt  }
0x79: {  	_ =	shalt  }
0x7a: {  	_ =	shalt  }
0x7b: {  	_ =	shalt  }
0x7c: {  	_ =	shalt  }
0x7d: {  	_ =	shalt  }
0x7e: {  	_ =	shalt  }
0x7f: {  	_ =	shalt  }
0x80: {  	_ =	shalt  }
0x81: {  	_ =	shalt  }
0x82: {  	_ =	shalt  }
0x83: {  	_ =	shalt  }
0x84: {  	_ =	shalt  }
0x85: {  	_ =	shalt  }
0x86: {  	_ =	shalt  }
0x87: {  	_ =	shalt  }
.Lfunc_end0:
.L_simem_size_0:
called_computation_lowered:
.L_overlay_start_0:
0x88: {  	s2 =	sld [smem:$0x3FD9]  }
0x89: {  	s3 =	sld [smem:$0x3FFE];
	_ =	sdelay $0x1  }
0x8a: {  	s1 =	srdreg.scid  }
0x8b: {  	s0 =	sand.u32 $0x1, s1  }
0x8c: {  	s14 =	sshll.u32 s0, $0xA;
	s2 =	sadd.s32 s3, s2  }
0x8d: {  	s2 =	sadd.s32 s2, s14  }
0x8e: {  	[smem:$0x3FC3] =	sst s2  }
0x8f: {  	_ = 	snop  }
0x90: {  	s2 =	sld [smem:$0x3FD0];
	_ =	sdelay $0x2  }
0x91: {  	s4 =	simm.s32 $0xA;
	s5 =	simm.s32 $0x10;
	s15 =	sld [smem:$0x3FC8]  }
0x92: {  	[smem:s5], [sflag:s4] =	dma.local [hbm:s2], $0x1  }
0x93: {  	_ =	swait.eq [sflag:s4], $0x1  }
0x94: {  	[sflag:s4] =	ssyncset.done $0x0  }
0x95: {  	[sflag:s4] =	ssyncadd.s32 $0xFFFFFFFF  }
0x96: {  	s16 =	sld [smem:$0x11];
	(tm) =	ssettm $0x1  }
0x97: {  	s17 =	sld [smem:$0x3FFB];
	_ =	sdelay $0x3  }
0x98: {  	_ =	strace s17  }
0x99: {  	s4 =	sld [smem:$0x3FFC];
	_ =	sdelay $0x3  }
0x9a: {  	_ =	strace s4  }
0x9b: {  	s4 =	sld [smem:$0x3FFD];
	_ =	sdelay $0x3  }
0x9c: {  	_ =	strace s4  }
0x9d: {  	_ =	strace $0x8FFFFFFF  }
0x9e: {  	s18 =	sld [smem:$0x3FDB];
	_ =	sdelay $0x1  }
0x9f: {  	s19 =	simm.s32 $_scs_section_size  }
0xa0: {  	s6 =	simm.s32 $_size__tile_overlayer_lowered;
	s7 =	simm.s32 $_tile_overlayer_lowered  }
0xa1: {  	s22 =	simm.s32 $0x1BFF;
	s21 =	sshll.u32 s7, $0x1;
	s4 =	sadd.s32 s19, s18  }
0xa2: {  	s8 =	simm.s32 $0x0;
	s20 =	sshll.u32 s6, $0x1;
	s6 =	sadd.s32 s21, s4  }
0xa3: {  	[timem:s8], [sflag:s22] =	dma.local [hbm:s6], s20  }
0xa4: {  	_ =	swait.ge [sflag:s22], s20  }
0xa5: {  	s5 =	ssub.s32 $0x0, s20;
	[sflag:s22] =	ssyncset.done $0x0  }
0xa6: {  	[sflag:s22] =	ssyncadd.s32 s5;
	_ =	sdelay $0x1  }
0xa7: {  	s23 =	simm.s32 $0x1B8B  }
0xa8: {  	_ =	swait.ge [sflag:s23], $0x1  }
0xa9: {  	[sflag:s23] =	ssyncset.done $0x0  }
0xaa: {  	s25 =	simm.s32 $0x1B8E;
	s24 =	sld [smem:$0x3FFE];
	[sflag:s23] =	ssyncadd.s32 $0xFFFFFFFF  }
0xab: {  	s26 =	simm.s32 $execute0_lowered;
	[smem:$0x3FD2] =	sst s25  }
0xac: {  	s6 =	sshll.u32 s26, $0x1;
	_ =	strace $0x80000046;
	[dreg:$0x1] =	wrdreg $0xFFFFFFFF  }
0xad: {  	s28 =	simm.s32 $_size_execute0_lowered;
	s4 =	sadd.s32 s4, s6;
	[dreg:$0x0] =	wrdreg $0x0  }
0xae: {  	s6 =	sshll.u32 s28, $0x1;
	[dreg:$0x2] =	wrdreg s4  }
0xaf: {  	[dreg:$0x3] =	wrdreg s6  }
0xb0: {  	[dreg:$0x4] =	wrdreg $0xC0  }
0xb1: {  	_ =	task [dreg:s8], $0x5FFFF  }
0xb2: {  	[dreg:$0x1] =	wrdreg $0xFFFFFFFF  }
0xb3: {  	[dreg:$0x0] =	wrdreg $0x60  }
0xb4: {  	[dreg:$0x2] =	wrdreg s24  }
0xb5: {  	[dreg:$0x3] =	wrdreg s15  }
0xb6: {  	[dreg:$0x4] =	wrdreg s16  }
0xb7: {  	[dreg:$0x5] =	wrdreg $0x9  }
0xb8: {  	_ =	task.clear_ibuf [dreg:s8], $0x6FFFF;
	_ =	strace $0x90000046  }
0xb9: {  	s29 =	simm.s32 $0x9;
	_ =	strace $0x80000048  }
0xba: {  	_ =	swait.ge [sflag:s29], $0x1  }
0xbb: {  	[sflag:s29] =	ssyncadd.s32 $0xFFFFFFFF  }
0xbc: {  	_ =	strace $0x90000048  }
0xbd: {  	_ =	sfence  }
0xbe: {  	s30 =	sld [smem:$0x0];
	_ =	sdelay $0x2  }
0xbf: {  	s31 =	sshll.u32 s1, $0xD;
	s1 =	sshrl.u32 s1, $0x2  }
0xc0: {  	s3 =	sand.u32 $0x4000, s31;
	s1 =	sadd.s32 s1, s30  }
0xc1: {  	s0 =	sor.u32 s3, s0;
	s1 =	sshll.u32 s1, $0x11  }
0xc2: {  	s0 =	sor.u32 s1, s0  }
0xc3: {  	s0 =	sadd.s32 $0x8F2B, s0  }
0xc4: {  	[sflag:s0] =	ssyncadd.remote.s32 $0x1  }
0xc5: {  	_ =	sfence.sel $0xFFFF  }
0xc6: {  	[dreg:$0x0] =	wrdreg $0xFFFFFFFF;
	(pc) =	sbr.abs _section_cstart, $3  }
0xc7: {  	[dreg:$0x1] =	wrdreg $0xFFFFFFFF  }
0xc8: {  	_ =	task.clear_ibuf [dreg:s8], $0x2FFFF;
	_ =	strace $0x9FFFFFFF  }
0xc9: {  	(tm) =	ssettm $0x7FFFFFFF  }
tec
execute0_lowered:
.L_overlay_start_1:
0x0: {  	(tag) =	ssettag $0x1  }
0x1: {  	s1 =	stileid.u32  }
0x2: {  	p0 =	sgt.u32 s1, $0x7  }
.Ltmp0:
0x3: {  	_ = 	snop;
	(pc) =	sbr.rel @p0 .LBB2_19-.Ltmp0, $4  }
0x4: {  	_ = 	snop  }
0x5: {  	s6 =	simm.s32 $0x0  }
0x6: {  	[smem:$0x7FF] =	sst s6  }
0x7: {  	s0 =	rddreg [dreg:$0x0];
	_ =	strace $0x80000047  }
0x8: {  	s1 =	srdreg.scid;
	s2 =	stileid.u32;
	s4 =	sadd.s32 $0x1400, s0  }
0x9: {  	s5 =	sadd.s32 $0x1000, s0;
	s1 =	sand.u32 $0x1, s1;
	s2 =	sshll.u32 s2, $0x1  }
0xa: {  	s16 =	simm.s32 $0x1310;
	[dreg:$0x4] =	wrdreg s4;
	s2 =	sor.u32 s1, s2  }
0xb: {  	s1 =	ssub.s32 $0x2, s1;
	s3 =	sshll.u32 s2, $0x5;
	s25 =	sshll.u32 s2, $0x6  }
0xc: {  	s29 =	sshrl.u32 s1, $0x1;
	s3 =	sadd.s32 s3, s0;
	s31 =	sadd.s32 s5, s25  }
0xd: {  	s26 =	sadd.s32 s25, s0;
	s3 =	sadd.s32 $0x1A00, s3;
	[dreg:$0x8] =	wrdreg s31  }
0xe: {  	s30 =	ssub.s32 s1, s29;
	s0 =	sadd.s32 $0x1C00, s26;
	[dreg:$0x5] =	wrdreg s3  }
0xf: {  	p0 =	sne.s32 s2, $0x0;
	[dreg:$0x7] =	wrdreg s0;
	s0 =	smax.u32 s30, $0x1  }
0x10: {  	s28 =	sadd.s32 $0x1600, s26;
	[dreg:$0x9] =	wrdreg s0;
	s0 =	simm.s32 @!p0 $0x0  }
0x11: {  	v0 =	vlaneseq.u32;
	s18 =	simm.s32 $0x25A0;
	vm0 =	vcmask $0x300;
	v3 =	vmov s2;
	[dreg:$0x6] =	wrdreg s28;
	s0 =	simm.s32 @p0 $0x1  }
0x12: {  	v2 =	vimm.s32 $0x0;
	v1 =	vor.u32 $0x10, v0;
	s2 =	simm.s32 $0x0;
	vm1 =	veq.s32 v3, v0;
	s3 =	simm.s32 $0x1;
	[smem:$0x7FD] =	sst s0  }
.LBB2_2:
0x13: {  	[dreg:$0xa] =	wrdreg s2  }
0x14: {  	s0 =	rddreg [dreg:$0x8]  }
0x15: {  	[tilespmem:s6], [sflag:$0x1] =	stream.linear.gather [hbm4b:s0+s6], $0x200, $0x38;
	[tilespmem:$0x2BB0] =	vst v63  }
0x16: {  	_ =	swait.ge [sflag:s3], $0x200  }
0x17: {  	[sflag:s3] =	ssyncset.done $0x0  }
0x18: {  	s1 =	simm.s32 $0x200;
	s26 =	rddreg [dreg:$0x4];
	[sflag:s3] =	ssyncadd.s32 $0xFFFFFE00  }
0x19: {  	[tilespmem:s1], [sflag:$0x1] =	stream.linear.gather [hbm4b:s26+s6], $0x1000, $0x38;
	[tilespmem:$0x2BB0] =	vst v63  }
0x1a: {  	_ =	swait.ge [sflag:s3], $0x1000  }
0x1b: {  	[sflag:s3] =	ssyncset.done $0x0  }
0x1c: {  	s29 =	simm.s32 $0x1200;
	s28 =	rddreg [dreg:$0x5];
	[sflag:s3] =	ssyncadd.s32 $0xFFFFF000  }
0x1d: {  	[tilespmem:s29], [sflag:$0x1] =	stream.linear.gather [hbm4b:s28+s6], $0x100, $0x38;
	[tilespmem:$0x2BB0] =	vst v63  }
0x1e: {  	_ =	swait.ge [sflag:s3], $0x100  }
0x1f: {  	[sflag:s3] =	ssyncset.done $0x0  }
0x20: {  	[sflag:s3] =	ssyncadd.s32 $0xFFFFFF00  }
0x21: {  	s31 =	simm.s32 $0x1300;
	s30 =	rddreg [dreg:$0x1]  }
0x22: {  	[tilespmem:s31], [sflag:$0x1] =	stream.linear.gather [hbm4b:s30+s6], $0x10, $0x38;
	[tilespmem:$0x2BB0] =	vst v63  }
0x23: {  	_ =	swait.ge [sflag:s3], $0x10  }
0x24: {  	[sflag:s3] =	ssyncset.done $0x0  }
0x25: {  	s2 =	simm.s32 $0x29A0;
	s1 =	rddreg [dreg:$0x6];
	[sflag:s3] =	ssyncadd.s32 $0xFFFFFFF0  }
0x26: {  	[tilespmem:s2], [sflag:$0x1] =	stream.linear.gather [hbm4b:s1+s6], $0x200, $0x38;
	[tilespmem:$0x2BB0] =	vst v63  }
0x27: {  	_ =	swait.ge [sflag:s3], $0x200  }
0x28: {  	[sflag:s3] =	ssyncset.done $0x0  }
0x29: {  	[sflag:s3] =	ssyncadd.s32 $0xFFFFFE00  }
0x2a: {  	v3 =	vld [tilespmem:$0x1200]  }
0x2b: {  	v4 =	vld [tilespmem:$0x1210]  }
0x2c: {  	v5 =	vld [tilespmem:$0x1220]  }
0x2d: {  	v6 =	vld [tilespmem:$0x1230]  }
0x2e: {  	v7 =	vld [tilespmem:$0x1240]  }
0x2f: {  	v8 =	vld [tilespmem:$0x1250];
	v3 =	vshll.u32 v3, v0  }
0x30: {  	(xrf0) =	vadd.scan.msk.s32 $0xffff, v3;
	v3 =	vshll.u32 v4, v1;
	v4 =	vld [tilespmem:$0x1260]  }
0x31: {  	(xrf0) =	vadd.scan.msk.s32 $0xffff, v3;
	v3 =	vshll.u32 v5, v0;
	v5 =	vld [tilespmem:$0x1270]  }
0x32: {  	(xrf0) =	vadd.scan.msk.s32 $0xffff, v3;
	v3 =	vshll.u32 v6, v1;
	v6 =	vld [tilespmem:$0x1280]  }
0x33: {  	(xrf0) =	vadd.scan.msk.s32 $0xffff, v3;
	v3 =	vshll.u32 v7, v0;
	v7 =	vld [tilespmem:$0x1290]  }
0x34: {  	(xrf0) =	vadd.scan.msk.s32 $0xffff, v3;
	v3 =	vshll.u32 v8, v1;
	v8 =	vld [tilespmem:$0x12A0]  }
0x35: {  	(xrf0) =	vadd.scan.msk.s32 $0xffff, v3;
	v3 =	vshll.u32 v4, v0;
	v4 =	vld [tilespmem:$0x12B0]  }
0x36: {  	v9, _, _ =	vpop (xrf0);
	(xrf0) =	vadd.scan.msk.s32 $0xffff, v3;
	v3 =	vshll.u32 v5, v1;
	v5 =	vld [tilespmem:$0x12C0]  }
0x37: {  	(v2sf) =	vpush v9, $0xF;
	v9, _, _ =	vpop (xrf0);
	(xrf0) =	vadd.scan.msk.s32 $0xffff, v3;
	v3 =	vshll.u32 v6, v0;
	v6 =	vld [tilespmem:$0x12D0]  }
0x38: {  	(v2sf) =	vpush v9, $0xF;
	v9, _, _ =	vpop (xrf0);
	(xrf0) =	vadd.scan.msk.s32 $0xffff, v3;
	v3 =	vshll.u32 v7, v1;
	v7 =	vld [tilespmem:$0x12E0]  }
0x39: {  	(v2sf) =	vpush v9, $0xF;
	v9, _, _ =	vpop (xrf0);
	(xrf0) =	vadd.scan.msk.s32 $0xffff, v3;
	v3 =	vshll.u32 v8, v0;
	v8 =	vld [tilespmem:$0x12F0]  }
0x3a: {  	(v2sf) =	vpush v9, $0xF;
	v9, _, _ =	vpop (xrf0);
	(xrf0) =	vadd.scan.msk.s32 $0xffff, v3;
	v3 =	vshll.u32 v4, v1  }
0x3b: {  	(v2sf) =	vpush v9, $0xF;
	v4, _, _ =	vpop (xrf0);
	(xrf0) =	vadd.scan.msk.s32 $0xffff, v3;
	v3 =	vshll.u32 v5, v0  }
0x3c: {  	(v2sf) =	vpush v4, $0xF;
	v4, _, _ =	vpop (xrf0);
	(xrf0) =	vadd.scan.msk.s32 $0xffff, v3;
	v3 =	vshll.u32 v6, v1  }
0x3d: {  	(v2sf) =	vpush v4, $0xF;
	v4, _, _ =	vpop (xrf0);
	(xrf0) =	vadd.scan.msk.s32 $0xffff, v3;
	v3 =	vshll.u32 v7, v0  }
0x3e: {  	(v2sf) =	vpush v4, $0xF;
	v4, _, _ =	vpop (xrf0);
	(xrf0) =	vadd.scan.msk.s32 $0xffff, v3;
	v3 =	vshll.u32 v8, v1;
	_ =	sdelay $0x1  }
0x3f: {  	(v2sf) =	vpush v4, $0xF;
	v4, _, _ =	vpop (xrf0);
	(xrf0) =	vadd.scan.msk.s32 $0xffff, v3  }
0x40: {  	(v2sf) =	vpush v4, $0xF;
	v3, _, _ =	vpop (xrf0)  }
0x41: {  	v4, _, _ =	vpop (xrf0);
	(v2sf) =	vpush v3, $0xF  }
0x42: {  	v3, _, _ =	vpop (xrf0);
	(v2sf) =	vpush v4, $0xF  }
0x43: {  	v4, _, _ =	vpop (xrf0);
	(v2sf) =	vpush v3, $0xF  }
0x44: {  	v3, _, _ =	vpop (xrf0);
	(v2sf) =	vpush v4, $0xF  }
0x45: {  	(v2sf) =	vpush v3, $0xF;
	v3, _, _ =	vpop (xrf0)  }
0x46: {  	s3 =	spop (v2sf);
	(v2sf) =	vpush v3, $0xF  }
0x47: {  	s6 =	spop (v2sf)  }
0x48: {  	s9 =	spop (v2sf)  }
0x49: {  	s10 =	spop (v2sf)  }
0x4a: {  	s4 =	spop (v2sf)  }
0x4b: {  	s5 =	spop (v2sf)  }
0x4c: {  	s11 =	spop (v2sf)  }
0x4d: {  	s7 =	spop (v2sf)  }
0x4e: {  	s8 =	spop (v2sf)  }
0x4f: {  	s0 =	sadd.s32 s3, s6;
	s12 =	spop (v2sf)  }
0x50: {  	v3 =	vmov s0;
	s13 =	sadd.s32 s9, s10;
	s14 =	spop (v2sf)  }
0x51: {  	v3 =	vnsel vm0, $0x0, v3;
	v4 =	vmov s13;
	s15 =	sadd.s32 s4, s5;
	s17 =	spop (v2sf)  }
0x52: {  	[tilespmem:$0x1510] =	vst v3;
	v3 =	vnsel vm0, $0x0, v4;
	v5 =	vmov s15;
	s19 =	sadd.s32 s11, s7;
	s20 =	spop (v2sf)  }
0x53: {  	[tilespmem:$0x1720] =	vst v3;
	v3 =	vnsel vm0, $0x0, v5;
	v4 =	vmov s19;
	s1 =	sadd.s32 s8, s12;
	s21 =	spop (v2sf)  }
0x54: {  	[tilespmem:$0x1930] =	vst v3;
	v3 =	vnsel vm0, $0x0, v4;
	v4 =	vmov s1;
	s23 =	sadd.s32 s14, s17;
	s22 =	spop (v2sf)  }
0x55: {  	[tilespmem:$0x1B40] =	vst v3;
	v3 =	vnsel vm0, $0x0, v4;
	v4 =	vmov s23;
	s0 =	sadd.s32 s20, s21;
	s24 =	spop (v2sf)  }
0x56: {  	[tilespmem:$0x1D50] =	vst v3;
	v3 =	vnsel vm0, $0x0, v4;
	v4 =	vmov s0;
	s25 =	sadd.s32 s22, s24  }
0x57: {  	[tilespmem:$0x1F60] =	vst v3;
	v3 =	vnsel vm0, $0x0, v4;
	v4 =	vmov s25  }
0x58: {  	[tilespmem:$0x2170] =	vst v3;
	v3 =	vnsel vm0, $0x0, v4  }
0x59: {  	s26 =	simm.s32 $0x10;
	[tilespmem:$0x2380] =	vst v3  }
0x5a: {  	v4 =	vld [tilespmem:s26+$0x0];
	_ =	sdelay $0x1  }
0x5b: {  	s28 =	simm.s32 $0xA00  }
0x5c: {  	v3 =	vld [tilespmem:s28+$0xFFFFF810];
	_ =	sdelay $0x1  }
0x5d: {  	v5 =	vld [tilespmem:s26+$0xFFFFFFF0];
	_ =	sdelay $0x2  }
0x5e: {  	v6 =	vld [tilespmem:s28+$0xFFFFF800];
	[tilespmem:v4+s16+$0x0] =	vst.idx.msk $0xffff, v3  }
0x5f: {  	v7 =	vadd.s32 $0x210, v4;
	v3 =	vld [tilespmem:s28+$0xFFFFFA10];
	_ =	sdelay $0x2  }
0x60: {  	s29 =	simm.s32 $0x30  }
0x61: {  	v9 =	vld [tilespmem:s29+$0x0];
	[tilespmem:v5+s16+$0x0] =	vst.idx.msk $0xffff, v6  }
0x62: {  	v6 =	vadd.s32 $0x210, v5;
	v8 =	vld [tilespmem:s28+$0xFFFFFA00];
	[tilespmem:v7+s16+$0x0] =	vst.idx.msk $0xffff, v3  }
0x63: {  	v7 =	vadd.s32 $0x420, v4;
	v3 =	vld [tilespmem:s28+$0xFFFFFC10]  }
0x64: {  	v10 =	vld [tilespmem:s29+$0xFFFFFFF0]  }
0x65: {  	s0 =	simm.s32 $0xA20  }
0x66: {  	v11 =	vld [tilespmem:s0+$0xFFFFF810]  }
0x67: {  	v12 =	vld [tilespmem:s0+$0xFFFFF800];
	[tilespmem:v6+s16+$0x0] =	vst.idx.msk $0xffff, v8  }
0x68: {  	v6 =	vadd.s32 $0x420, v5;
	v8 =	vld [tilespmem:s28+$0xFFFFFC00];
	[tilespmem:v7+s16+$0x0] =	vst.idx.msk $0xffff, v3  }
0x69: {  	v7 =	vadd.s32 $0x630, v4;
	v3 =	vld [tilespmem:s28+$0xFFFFFE10];
	_ =	sdelay $0x1  }
0x6a: {  	[tilespmem:v9+s16+$0x0] =	vst.idx.msk $0xffff, v11  }
0x6b: {  	v13 =	vadd.s32 $0x210, v9;
	[tilespmem:v10+s16+$0x0] =	vst.idx.msk $0xffff, v12;
	v11 =	vld [tilespmem:s0+$0xFFFFFA10]  }
0x6c: {  	v12 =	vadd.s32 $0x210, v10;
	v14 =	vld [tilespmem:s0+$0xFFFFFA00];
	[tilespmem:v6+s16+$0x0] =	vst.idx.msk $0xffff, v8  }
0x6d: {  	v6 =	vadd.s32 $0x630, v5;
	v8 =	vld [tilespmem:s28+$0xFFFFFE00];
	[tilespmem:v7+s16+$0x0] =	vst.idx.msk $0xffff, v3  }
0x6e: {  	v7 =	vadd.s32 $0x840, v4;
	v3 =	vld [tilespmem:s28+$0x10];
	_ =	sdelay $0x1  }
0x6f: {  	[tilespmem:v13+s16+$0x0] =	vst.idx.msk $0xffff, v11  }
0x70: {  	s1 =	simm.s32 $0xA40;
	[tilespmem:v12+s16+$0x0] =	vst.idx.msk $0xffff, v14  }
0x71: {  	v17 =	vld [tilespmem:s1+$0xFFFFF810];
	[tilespmem:v6+s16+$0x0] =	vst.idx.msk $0xffff, v8  }
0x72: {  	v8 =	vadd.s32 $0x420, v9;
	[tilespmem:v7+s16+$0x0] =	vst.idx.msk $0xffff, v3;
	v7 =	vld [tilespmem:s0+$0xFFFFFC10]  }
0x73: {  	s30 =	simm.s32 $0x50;
	v16 =	vld [tilespmem:s0+$0xFFFFFC00]  }
0x74: {  	v12 =	vadd.s32 $0x420, v10;
	v3 =	vld [tilespmem:s30+$0x0]  }
0x75: {  	v15 =	vadd.s32 $0x840, v5;
	v6 =	vld [tilespmem:s28+$0x0]  }
0x76: {  	v13 =	vadd.s32 $0xA50, v4;
	v11 =	vld [tilespmem:s28+$0x210]  }
0x77: {  	v14 =	vld [tilespmem:s30+$0xFFFFFFF0];
	[tilespmem:v8+s16+$0x0] =	vst.idx.msk $0xffff, v7  }
0x78: {  	s31 =	simm.s32 $0x70;
	v8 =	vadd.s32 $0x630, v9;
	v7 =	vld [tilespmem:s0+$0xFFFFFE10]  }
0x79: {  	v21 =	vld [tilespmem:s31+$0xFFFFFFF0];
	[tilespmem:v12+s16+$0x0] =	vst.idx.msk $0xffff, v16  }
0x7a: {  	[tilespmem:v15+s16+$0x0] =	vst.idx.msk $0xffff, v6;
	v6 =	vld [tilespmem:s1+$0xFFFFF800]  }
0x7b: {  	v15 =	vadd.s32 $0xA50, v5;
	v12 =	vld [tilespmem:s28+$0x200];
	[tilespmem:v13+s16+$0x0] =	vst.idx.msk $0xffff, v11  }
0x7c: {  	v13 =	vadd.s32 $0xC60, v4;
	v11 =	vld [tilespmem:s28+$0x410];
	[tilespmem:v3+s16+$0x0] =	vst.idx.msk $0xffff, v17  }
0x7d: {  	v19 =	vadd.s32 $0x210, v3;
	v18 =	vld [tilespmem:s1+$0xFFFFFA10];
	[tilespmem:v8+s16+$0x0] =	vst.idx.msk $0xffff, v7  }
0x7e: {  	v8 =	vadd.s32 $0x840, v9;
	v7 =	vld [tilespmem:s0+$0x10]  }
0x7f: {  	v16 =	vadd.s32 $0x630, v10;
	[tilespmem:v14+s16+$0x0] =	vst.idx.msk $0xffff, v6;
	v17 =	vld [tilespmem:s0+$0xFFFFFE00]  }
0x80: {  	[tilespmem:v15+s16+$0x0] =	vst.idx.msk $0xffff, v12;
	v15 =	vadd.s32 $0xE70, v4;
	v4 =	vld [tilespmem:s31+$0x0]  }
0x81: {  	v12 =	vadd.s32 $0x210, v14;
	[tilespmem:v13+s16+$0x0] =	vst.idx.msk $0xffff, v11;
	v11 =	vld [tilespmem:s1+$0xFFFFFA00]  }
0x82: {  	v6 =	vld [tilespmem:s28+$0x610];
	[tilespmem:v19+s16+$0x0] =	vst.idx.msk $0xffff, v18  }
0x83: {  	[tilespmem:v8+s16+$0x0] =	vst.idx.msk $0xffff, v7;
	v7 =	vld [tilespmem:s1+$0xFFFFFC10];
	v8 =	vadd.s32 $0x420, v3  }
0x84: {  	[tilespmem:v16+s16+$0x0] =	vst.idx.msk $0xffff, v17;
	v18 =	vadd.s32 $0xA50, v9;
	v17 =	vld [tilespmem:s0+$0x210]  }
0x85: {  	v13 =	vld [tilespmem:s28+$0x400];
	v19 =	vadd.s32 $0xC60, v5  }
0x86: {  	v20 =	vadd.s32 $0x840, v10;
	v16 =	vld [tilespmem:s0+$0x0];
	[tilespmem:v12+s16+$0x0] =	vst.idx.msk $0xffff, v11  }
0x87: {  	s2 =	simm.s32 $0xA60;
	v11 =	vadd.s32 $0x420, v14;
	[tilespmem:v15+s16+$0x0] =	vst.idx.msk $0xffff, v6;
	v6 =	vld [tilespmem:s1+$0xFFFFFC00]  }
0x88: {  	v12 =	vld [tilespmem:s2+$0xFFFFF810];
	[tilespmem:v8+s16+$0x0] =	vst.idx.msk $0xffff, v7  }
0x89: {  	v8 =	vadd.s32 $0x630, v3;
	v7 =	vld [tilespmem:s1+$0xFFFFFE10];
	[tilespmem:v18+s16+$0x0] =	vst.idx.msk $0xffff, v17  }
0x8a: {  	v15 =	vadd.s32 $0xC60, v9;
	[tilespmem:v19+s16+$0x0] =	vst.idx.msk $0xffff, v13;
	v13 =	vld [tilespmem:s0+$0x410]  }
0x8b: {  	[tilespmem:v20+s16+$0x0] =	vst.idx.msk $0xffff, v16;
	v16 =	vld [tilespmem:s2+$0xFFFFF800]  }
0x8c: {  	v17 =	vadd.s32 $0xA50, v10;
	[tilespmem:v11+s16+$0x0] =	vst.idx.msk $0xffff, v6;
	v6 =	vld [tilespmem:s0+$0x200]  }
0x8d: {  	[tilespmem:v4+s16+$0x0] =	vst.idx.msk $0xffff, v12;
	v11 =	vadd.s32 $0x630, v14;
	v12 =	vld [tilespmem:s1+$0xFFFFFE00]  }
0x8e: {  	v20 =	vadd.s32 $0x210, v4;
	v18 =	vld [tilespmem:s2+$0xFFFFFA10];
	[tilespmem:v8+s16+$0x0] =	vst.idx.msk $0xffff, v7  }
0x8f: {  	v23 =	vadd.s32 $0x840, v3;
	v22 =	vld [tilespmem:s1+$0x10];
	[tilespmem:v15+s16+$0x0] =	vst.idx.msk $0xffff, v13  }
0x90: {  	v24 =	vadd.s32 $0xE70, v9;
	[tilespmem:v21+s16+$0x0] =	vst.idx.msk $0xffff, v16;
	v13 =	vld [tilespmem:s0+$0x610]  }
0x91: {  	v25 =	vadd.s32 $0x210, v21;
	v26 =	vld [tilespmem:s2+$0xFFFFFA00];
	[tilespmem:v17+s16+$0x0] =	vst.idx.msk $0xffff, v6  }
0x92: {  	v9 =	vadd.s32 $0xC60, v14;
	v16 =	vadd.s32 $0xC60, v21;
	v8 =	vadd.s32 $0xC60, v10;
	[tilespmem:v11+s16+$0x0] =	vst.idx.msk $0xffff, v12;
	v19 =	vld [tilespmem:s0+$0x400]  }
0x93: {  	v6 =	vadd.s32 $0xE70, v5;
	v5 =	vadd.s32 $0xE70, v10;
	[tilespmem:v20+s16+$0x0] =	vst.idx.msk $0xffff, v18;
	v12 =	vadd.s32 $0x840, v14;
	v20 =	vld [tilespmem:s1+$0x0]  }
0x94: {  	v10 =	vadd.s32 $0xA50, v14;
	v7 =	vadd.s32 $0xE70, v14;
	v18 =	vld [tilespmem:s28+$0x600];
	v17 =	vadd.s32 $0x840, v21;
	[tilespmem:v23+s16+$0x0] =	vst.idx.msk $0xffff, v22  }
0x95: {  	v15 =	vadd.s32 $0x420, v21;
	v14 =	vadd.s32 $0x630, v21;
	v23 =	vld [tilespmem:s2+$0xFFFFFC10];
	[tilespmem:v24+s16+$0x0] =	vst.idx.msk $0xffff, v13;
	v24 =	vadd.s32 $0x420, v4  }
0x96: {  	s3 =	simm.s32 $0x6;
	s4 =	simm.s32 $0x90;
	s5 =	simm.s32 $0xA60;
	v11 =	vadd.s32 $0xA50, v21;
	[tilespmem:v25+s16+$0x0] =	vst.idx.msk $0xffff, v26;
	v22 =	vadd.s32 $0xA50, v3;
	v13 =	vadd.s32 $0xE70, v21;
	v21 =	vld [tilespmem:s1+$0x210]  }
.LBB2_3:
0x97: {  	v25 =	vld [tilespmem:s4+$0x0];
	[tilespmem:v8+s16+$0x0] =	vst.idx.msk $0xffff, v19;
	v8 =	vmov v9;
	v9 =	vmov v16  }
0x98: {  	v19 =	vld [tilespmem:s4+$0xFFFFFFF0];
	[tilespmem:v12+s16+$0x0] =	vst.idx.msk $0xffff, v20;
	v12 =	vmov v17  }
0x99: {  	s3 =	sadd.s32 $0x2, s3;
	s5 =	sadd.s32 $0x20, s5;
	v20 =	vld [tilespmem:s2+$0xFFFFFC00];
	[tilespmem:v6+s16+$0x0] =	vst.idx.msk $0xffff, v18;
	v6 =	vmov v5;
	v5 =	vmov v7;
	v7 =	vmov v13  }
0x9a: {  	p1 =	slt.u32 s3, $0x1E;
	v18 =	vld [tilespmem:s5+$0xFFFFF810];
	[tilespmem:v24+s16+$0x0] =	vst.idx.msk $0xffff, v23  }
0x9b: {  	v24 =	vadd.s32 $0x630, v4;
	v23 =	vld [tilespmem:s2+$0xFFFFFE10];
	[tilespmem:v22+s16+$0x0] =	vst.idx.msk $0xffff, v21  }
0x9c: {  	v22 =	vadd.s32 $0xC60, v3;
	v21 =	vld [tilespmem:s1+$0x410]  }
0x9d: {  	v26 =	vld [tilespmem:s5+$0xFFFFF800];
	v27 =	vadd.s32 $0x210, v19;
	v13 =	vadd.s32 $0x420, v19;
	v28 =	vadd.s32 $0x630, v19  }
0x9e: {  	v17 =	vadd.s32 $0x840, v19;
	v29 =	vadd.s32 $0xA50, v19;
	v16 =	vadd.s32 $0xC60, v19;
	[tilespmem:v15+s16+$0x0] =	vst.idx.msk $0xffff, v20;
	v20 =	vld [tilespmem:s1+$0x200];
	v15 =	vmovc v13  }
0x9f: {  	v13 =	vadd.s32 $0xE70, v19;
	[tilespmem:v25+s16+$0x0] =	vst.idx.msk $0xffff, v18;
	v18 =	vld [tilespmem:s2+$0xFFFFFE00]  }
0xa0: {  	v31 =	vadd.s32 $0x210, v25;
	v30 =	vld [tilespmem:s5+$0xFFFFFA10];
	[tilespmem:v24+s16+$0x0] =	vst.idx.msk $0xffff, v23  }
0xa1: {  	v24 =	vadd.s32 $0x840, v4;
	v23 =	vld [tilespmem:s2+$0x10];
	[tilespmem:v22+s16+$0x0] =	vst.idx.msk $0xffff, v21  }
0xa2: {  	v22 =	vadd.s32 $0xE70, v3;
	v3 =	vmov v4;
	v4 =	vmov v25;
	[tilespmem:v19+s16+$0x0] =	vst.idx.msk $0xffff, v26;
	v21 =	vld [tilespmem:s1+$0x610]  }
0xa3: {  	v25 =	vld [tilespmem:s5+$0xFFFFFA00];
	[tilespmem:v10+s16+$0x0] =	vst.idx.msk $0xffff, v20;
	v10 =	vmov v11;
	v11 =	vmov v29  }
.Ltmp1:
0xa4: {  	[tilespmem:v14+s16+$0x0] =	vst.idx.msk $0xffff, v18;
	v19 =	vld [tilespmem:s1+$0x400];
	v14 =	vmov v28;
	(pc) =	sbr.rel @p1 .LBB2_3-.Ltmp1, $4  }
0xa5: {  	[tilespmem:v31+s16+$0x0] =	vst.idx.msk $0xffff, v30;
	v20 =	vld [tilespmem:s2+$0x0]  }
0xa6: {  	[tilespmem:v24+s16+$0x0] =	vst.idx.msk $0xffff, v23;
	v18 =	vld [tilespmem:s0+$0x600];
	s0 =	smov.u32 s1;
	s1 =	smov.u32 s2;
	s2 =	smov.u32 s5  }
0xa7: {  	v24 =	vadd.s32 $0x420, v4;
	v23 =	vld [tilespmem:s5+$0xFFFFFC10];
	[tilespmem:v22+s16+$0x0] =	vst.idx.msk $0xffff, v21  }
0xa8: {  	s4 =	sadd.s32 $0x20, s4;
	v22 =	vadd.s32 $0xA50, v3;
	[tilespmem:v27+s16+$0x0] =	vst.idx.msk $0xffff, v25;
	v21 =	vld [tilespmem:s1+$0x210]  }
0xa9: {  	v25 =	vld [tilespmem:s2+$0xFFFFFC00];
	_ =	sdelay $0x3  }
0xaa: {  	[tilespmem:v24+s16+$0x0] =	vst.idx.msk $0xffff, v23  }
0xab: {  	v49 =	vadd.s32 $0x630, v4;
	v23 =	vld [tilespmem:s2+$0xFFFFFE10];
	[tilespmem:v15+s16+$0x0] =	vst.idx.msk $0xffff, v25  }
0xac: {  	v15 =	vld [tilespmem:s2+$0xFFFFFE00];
	_ =	sdelay $0x3  }
0xad: {  	[tilespmem:v49+s16+$0x0] =	vst.idx.msk $0xffff, v23  }
0xae: {  	v50 =	vadd.s32 $0x840, v4;
	v23 =	vld [tilespmem:s2+$0x10];
	[tilespmem:v14+s16+$0x0] =	vst.idx.msk $0xffff, v15  }
0xaf: {  	v14 =	vld [tilespmem:s2+$0x0];
	_ =	sdelay $0x2  }
0xb0: {  	[tilespmem:v12+s16+$0x0] =	vst.idx.msk $0xffff, v20  }
0xb1: {  	v20 =	vld [tilespmem:s1+$0x200];
	[tilespmem:v50+s16+$0x0] =	vst.idx.msk $0xffff, v23  }
0xb2: {  	v52 =	vadd.s32 $0xA50, v4;
	v51 =	vld [tilespmem:s2+$0x210];
	[tilespmem:v17+s16+$0x0] =	vst.idx.msk $0xffff, v14  }
0xb3: {  	v14 =	vld [tilespmem:s2+$0x200];
	_ =	sdelay $0x1  }
0xb4: {  	[tilespmem:v22+s16+$0x0] =	vst.idx.msk $0xffff, v21  }
0xb5: {  	v54 =	vadd.s32 $0xC60, v3;
	v53 =	vld [tilespmem:s1+$0x410];
	[tilespmem:v10+s16+$0x0] =	vst.idx.msk $0xffff, v20  }
0xb6: {  	v57 =	vld [tilespmem:s1+$0x400];
	[tilespmem:v52+s16+$0x0] =	vst.idx.msk $0xffff, v51  }
0xb7: {  	v56 =	vadd.s32 $0xC60, v4;
	v55 =	vld [tilespmem:s2+$0x410];
	[tilespmem:v11+s16+$0x0] =	vst.idx.msk $0xffff, v14  }
0xb8: {  	v11 =	vld [tilespmem:s2+$0x400]  }
0xb9: {  	[tilespmem:v8+s16+$0x0] =	vst.idx.msk $0xffff, v19  }
0xba: {  	v59 =	vld [tilespmem:s0+$0x600];
	[tilespmem:v54+s16+$0x0] =	vst.idx.msk $0xffff, v53  }
0xbb: {  	v3 =	vadd.s32 $0xE70, v3;
	v58 =	vld [tilespmem:s1+$0x610];
	[tilespmem:v9+s16+$0x0] =	vst.idx.msk $0xffff, v57  }
0xbc: {  	v62 =	vld [tilespmem:s1+$0x600];
	[tilespmem:v56+s16+$0x0] =	vst.idx.msk $0xffff, v55  }
0xbd: {  	v61 =	vadd.s32 $0xE70, v4;
	v60 =	vld [tilespmem:s2+$0x610];
	[tilespmem:v16+s16+$0x0] =	vst.idx.msk $0xffff, v11  }
0xbe: {  	[tilespmem:v6+s16+$0x0] =	vst.idx.msk $0xffff, v18;
	v63 =	vld [tilespmem:s2+$0x600]  }
.Ltmp2:
0xbf: {  	[tilespmem:v5+s16+$0x0] =	vst.idx.msk $0xffff, v59;
	(pc) =	sbr.rel .LBB2_5-.Ltmp2, $4  }
0xc0: {  	s4 =	simm.s32 $0x0;
	[tilespmem:v3+s16+$0x0] =	vst.idx.msk $0xffff, v58  }
0xc1: {  	s15 =	simm.s32 $0x0;
	s19 =	simm.s32 $0x0;
	s12 =	simm.s32 $0x0;
	[tilespmem:v7+s16+$0x0] =	vst.idx.msk $0xffff, v62  }
0xc2: {  	s22 =	simm.s32 $0x0;
	s21 =	simm.s32 $0x0;
	s6 =	simm.s32 $0x0;
	[tilespmem:v61+s16+$0x0] =	vst.idx.msk $0xffff, v60  }
0xc3: {  	s29 =	simm.s32 $0x0;
	s30 =	simm.s32 $0x0;
	s31 =	simm.s32 $0x0;
	[tilespmem:v13+s16+$0x0] =	vst.idx.msk $0xffff, v63  }
.LBB2_13:
0xc4: {  	s6 =	rddreg [dreg:$0x12]  }
0xc5: {  	s21 =	rddreg [dreg:$0x10]  }
0xc6: {  	s26 =	rddreg [dreg:$0xf]  }
0xc7: {  	s31 =	sadd.s32 $0x1, s31;
	s12 =	rddreg [dreg:$0xe]  }
0xc8: {  	s19 =	rddreg [dreg:$0xd];
	p0 =	sne.s32 s31, $0x200  }
.Ltmp3:
0xc9: {  	s28 =	rddreg [dreg:$0xc];
	(pc) =	sbr.rel @!p0 .LBB2_14-.Ltmp3, $4  }
0xca: {  	s30 =	sor.u32 s30, s25;
	s4 =	rddreg [dreg:$0xb]  }
0xcb: {  	s29 =	sor.u32 s29, s14;
	s0 =	rddreg [dreg:$0x11];
	s6 =	sor.u32 s6, s15  }
0xcc: {  	s21 =	sor.u32 s21, s22;
	s22 =	sor.u32 s26, s23;
	s12 =	sor.u32 s12, s24  }
0xcd: {  	s19 =	sor.u32 s19, s2;
	s15 =	sor.u32 s28, s3;
	s4 =	sadd.s32 s0, s4  }
.LBB2_5:
0xce: {  	v3 =	vld [tilespmem:s31+$0x1310];
	s0 =	sand.u32 $0x1FF, s31  }
0xcf: {  	v4 =	vld [tilespmem:s0+$0x1520]  }
0xd0: {  	v5 =	vld [tilespmem:s0+$0x1730];
	_ =	sdelay $0x1  }
0xd1: {  	v6 =	vld [tilespmem:s0+$0x1940]  }
0xd2: {  	v7 =	vld [tilespmem:s0+$0x1B50];
	(v2sf) =	vpush v3, $0x0  }
0xd3: {  	(v2sf) =	vpush v4, $0x0  }
0xd4: {  	(v2sf) =	vpush v5, $0x0;
	_ =	sdelay $0x1  }
0xd5: {  	v3 =	vld [tilespmem:s0+$0x1D60];
	(v2sf) =	vpush v6, $0x0  }
0xd6: {  	(v2sf) =	vpush v7, $0x0  }
0xd7: {  	v61 =	vld [tilespmem:s0+$0x1F70];
	_ =	sdelay $0x2  }
0xd8: {  	v62 =	vld [tilespmem:s0+$0x2180];
	(v2sf) =	vpush v3, $0x0  }
0xd9: {  	[dreg:$0xb] =	wrdreg s4  }
0xda: {  	[dreg:$0x12] =	wrdreg s6;
	(v2sf) =	vpush v61, $0x0  }
0xdb: {  	[dreg:$0x10] =	wrdreg s21  }
0xdc: {  	[dreg:$0xf] =	wrdreg s22  }
0xdd: {  	s23 =	sxor.u32 $0xFFFFFFFF, s30;
	s1 =	sxor.u32 $0xFFFFFFFF, s29;
	[dreg:$0xe] =	wrdreg s12;
	(v2sf) =	vpush v62, $0x0  }
0xde: {  	s25 =	sxor.u32 $0xFFFFFFFF, s6;
	[dreg:$0xd] =	wrdreg s19;
	s8 =	spop (v2sf)  }
0xdf: {  	s28 =	sxor.u32 $0xFFFFFFFF, s21;
	[dreg:$0xc] =	wrdreg s15;
	s9 =	spop (v2sf)  }
0xe0: {  	s13 =	sand.u32 s23, s8;
	s23 =	sxor.u32 $0xFFFFFFFF, s22;
	s20 =	spop (v2sf)  }
0xe1: {  	s5 =	sand.u32 s1, s9;
	p0 =	sne.s32 s13, $0x0;
	s26 =	ssub.s32 $0x0, s13  }
0xe2: {  	s17 =	spop (v2sf);
	s24 =	ssub.s32 $0x0, s5;
	s1 =	sor.u32 s13, s5  }
0xe3: {  	s2 =	simm.s32 @!p0 $0x0;
	s6 =	sand.u32 s25, s20;
	s4 =	spop (v2sf)  }
0xe4: {  	s14 =	sand.u32 s24, s5;
	s2 =	simm.s32 @p0 $0x1;
	p2 =	sne.s32 s1, $0x0  }
0xe5: {  	s0 =	ssub.s32 $0x0, s6;
	s1 =	sor.u32 s1, s6;
	s21 =	sand.u32 s28, s17  }
0xe6: {  	s24 =	sxor.u32 $0xFFFFFFFF, s12;
	s28 =	sxor.u32 $0xFFFFFFFF, s19;
	s19 =	sxor.u32 $0xFFFFFFFF, s15  }
0xe7: {  	s10 =	spop (v2sf);
	[smem:$0x7FC] =	sst s2;
	s14 =	simm.s32 @p0 $0x0  }
0xe8: {  	s25 =	sand.u32 s0, s6;
	s3 =	ssub.s32 $0x0, s21;
	p3 =	sne.s32 s1, $0x0  }
0xe9: {  	s0 =	sand.u32 s23, s4;
	s1 =	sor.u32 s1, s21;
	s11 =	spop (v2sf)  }
0xea: {  	s25 =	simm.s32 @p2 $0x0;
	s22 =	sand.u32 s3, s21;
	s2 =	ssub.s32 $0x0, s0  }
0xeb: {  	p4 =	sne.s32 s1, $0x0;
	s1 =	sor.u32 s1, s0;
	s12 =	sand.u32 s24, s10  }
0xec: {  	s7 =	spop (v2sf);
	s23 =	sand.u32 s2, s0;
	p5 =	sne.s32 s1, $0x0  }
0xed: {  	s2 =	sor.u32 s1, s12;
	s3 =	ssub.s32 $0x0, s12;
	s1 =	sand.u32 s28, s11  }
0xee: {  	s24 =	sand.u32 s3, s12;
	s3 =	sor.u32 s2, s1;
	s19 =	sand.u32 s19, s7  }
0xef: {  	s22 =	simm.s32 @p3 $0x0;
	s28 =	simm.s32 $0x1;
	s15 =	sor.u32 s3, s19  }
0xf0: {  	v3 =	vmov s31;
	s23 =	simm.s32 @p4 $0x0;
	p0 =	sne.s32 s2, $0x0;
	p1 =	seq.s32 s15, $0x0  }
.Ltmp4:
0xf1: {  	s2 =	ssub.s32 $0x0, s1;
	s24 =	simm.s32 @p5 $0x0;
	(pc) =	sbr.rel @p1 .LBB2_13-.Ltmp4, $4  }
0xf2: {  	s2 =	sand.u32 s2, s1;
	p6 =	sne.s32 s15, $0x0;
	s15 =	smov.u32 s25  }
0xf3: {  	s28 =	simm.s32 @!p6 $0x0;
	p6 =	sne.s32 s3, $0x0;
	s3 =	ssub.s32 $0x0, s19  }
0xf4: {  	s3 =	sand.u32 s3, s19;
	[dreg:$0x11] =	wrdreg s28;
	v63 =	vmov s28;
	s28 =	simm.s32 $0x2390  }
0xf5: {  	s25 =	sand.u32 s26, s13;
	s2 =	simm.s32 @p0 $0x0;
	s3 =	simm.s32 @p6 $0x0;
	[tilespmem:v3+s28+$0x0] =	vst.idx.msk $0x1, v63  }
0xf6: {  	s26 =	sld [smem:$0x7FC];
	_ =	sdelay $0x2  }
0xf7: {  	s13 =	simm.s32 $0x0;
	p1 =	seq.s32 s26, $0x1  }
0xf8: {  	s13 =	simm.s32 @!p1 $0x210;
	p1 =	sne.s32 s5, $0x0  }
0xf9: {  	s13 =	simm.s32 @!p1 $0x0  }
0xfa: {  	s5 =	smov.u32 s13  }
0xfb: {  	p1 =	seq.s32 s6, $0x0;
	s5 =	simm.s32 @!p2 $0x420  }
0xfc: {  	s5 =	smov.u32 @p1 s13  }
0xfd: {  	s6 =	smov.u32 s5  }
0xfe: {  	p1 =	seq.s32 s21, $0x0;
	s6 =	simm.s32 @!p3 $0x630  }
0xff: {  	s6 =	smov.u32 @p1 s5  }
0x100: {  	s5 =	smov.u32 s6  }
0x101: {  	p1 =	seq.s32 s0, $0x0;
	s5 =	simm.s32 @!p4 $0x840  }
0x102: {  	s5 =	smov.u32 @p1 s6  }
0x103: {  	s0 =	smov.u32 s5  }
0x104: {  	p1 =	seq.s32 s12, $0x0;
	s0 =	simm.s32 @!p5 $0xA50  }
0x105: {  	s0 =	smov.u32 @p1 s5  }
0x106: {  	s13 =	sor.u32 s25, s14;
	s12 =	smov.u32 s0  }
0x107: {  	s5 =	sor.u32 s15, s13;
	s12 =	simm.s32 @!p0 $0xC60;
	p0 =	seq.s32 s1, $0x0  }
0x108: {  	s21 =	sor.u32 s22, s5;
	s5 =	sshrl.u32 s31, $0x4;
	s12 =	smov.u32 @p0 s0  }
0x109: {  	s13 =	ssub.s32 $0x21, s5;
	s6 =	smov.u32 s12  }
0x10a: {  	p0 =	seq.s32 s19, $0x0;
	s1 =	sand.u32 $0x3E, s13;
	s6 =	simm.s32 @!p6 $0xE70  }
0x10b: {  	s6 =	smov.u32 @p0 s12;
	p0 =	seq.s32 s1, $0x0  }
.Ltmp5:
0x10c: {  	s28 =	sxor.u32 s8, s25;
	s26 =	sor.u32 s23, s21;
	(pc) =	sbr.rel @p0 .LBB2_10-.Ltmp5, $4  }
0x10d: {  	s8 =	sxor.u32 s9, s14;
	s9 =	sxor.u32 s20, s15;
	s0 =	sor.u32 s24, s26  }
0x10e: {  	s17 =	sxor.u32 s17, s22;
	s20 =	sxor.u32 s10, s24;
	s0 =	sor.u32 s2, s0  }
0x10f: {  	s21 =	sxor.u32 s4, s23;
	s26 =	sshll.u32 s5, $0x6;
	s0 =	sor.u32 s3, s0  }
0x110: {  	s19 =	sxor.u32 s7, s3;
	s10 =	sadd.s32 s5, s1;
	v3 =	vmov s0;
	s12 =	sxor.u32 s11, s2  }
0x111: {  	s0 =	sshll.u32 s6, $0x2  }
0x112: {  	s0 =	sshra.s32 s0, $0x2  }
0x113: {  	v12 =	vmov s0;
	_ =	sdelay $0x1  }
0x114: {  	s1 =	sshrl.u32 s26, $0x2  }
0x115: {  	s4 =	sadd.s32 $0x1310, s1  }
0x116: {  	v15 =	vld [tilespmem:s4+$0x210]  }
0x117: {  	v13 =	vld.idx.msk [tilespmem:v12+s4+$0x10 ss:$0x1], $0xffff  }
0x118: {  	v19 =	vld [tilespmem:s4+$0x420]  }
0x119: {  	v14 =	vld.idx.msk [tilespmem:v12+s4+$0x0 ss:$0x1], $0xffff  }
0x11a: {  	v16 =	vld [tilespmem:s4+$0xE80]  }
0x11b: {  	v4 =	vmov s28;
	v5 =	vmov s8;
	v6 =	vmov s9;
	v20 =	vld [tilespmem:s4+$0x630]  }
0x11c: {  	v7 =	vmov s17;
	v8 =	vmov s21;
	v21 =	vld [tilespmem:s4+$0x840];
	v13 =	vand.u32 v3, v13  }
0x11d: {  	v9 =	vmov s20;
	v11 =	vmov s19;
	v22 =	vld [tilespmem:s4+$0xA50];
	vm2 =	veq.s32 v13, $0x0  }
0x11e: {  	v10 =	vmov s12;
	v30 =	vld [tilespmem:s4+$0x10];
	v13 =	vand.u32 v3, v14;
	v14 =	vsel vm2, $0x0, v11  }
0x11f: {  	v23 =	vld [tilespmem:s4+$0xC60];
	vm3 =	veq.s32 v13, $0x0;
	v24 =	vsel vm2, $0x0, v4;
	v36 =	vsel vm2, $0x0, v5  }
0x120: {  	v26 =	vld [tilespmem:s4+$0xE70];
	v37 =	vsel vm2, $0x0, v6;
	v14 =	vxor.u32 v16, v14;
	v13 =	vsel vm3, $0x0, v4  }
0x121: {  	s11 =	sadd.s32 $0x2, s5;
	v35 =	vld [tilespmem:s4+$0x430];
	v17 =	vsel vm3, $0x0, v5;
	v25 =	vsel vm3, $0x0, v6;
	v27 =	vsel vm3, $0x0, v7  }
0x122: {  	p0 =	slt.u32 s11, s10;
	v32 =	vld [tilespmem:s4+$0x220];
	v28 =	vsel vm3, $0x0, v8;
	v31 =	vsel vm3, $0x0, v9;
	v33 =	vsel vm3, $0x0, v10  }
.Ltmp6:
0x123: {  	v18 =	vld [tilespmem:s4+$0x640];
	v34 =	vsel vm3, $0x0, v11;
	v16 =	vsel vm2, $0x0, v7;
	v24 =	vxor.u32 v30, v24;
	(pc) =	sbr.rel @!p0 .LBB2_9-.Ltmp6, $4  }
0x124: {  	[tilespmem:s4+$0xE80] =	vst v14;
	v15 =	vxor.u32 v15, v17;
	v17 =	vsel vm2, $0x0, v8;
	v25 =	vxor.u32 v19, v25;
	v19 =	vld [tilespmem:s4+$0x850]  }
0x125: {  	v14 =	vsel vm2, $0x0, v9;
	v38 =	vxor.u32 v20, v27;
	v29 =	vxor.u32 v21, v28;
	v20 =	vld [tilespmem:s4+$0xA60];
	[tilespmem:s4+$0x210] =	vst v15  }
0x126: {  	v28 =	vxor.u32 v22, v31;
	v26 =	vxor.u32 v26, v34;
	v22 =	vld [tilespmem:s4+$0xC70];
	v21 =	vxor.u32 v35, v37;
	[tilespmem:s4+$0x420] =	vst v25  }
0x127: {  	s7 =	sadd.s32 $0x20, s4;
	v27 =	vld [tilespmem:s4+$0x0];
	v15 =	vsel vm2, $0x0, v10;
	v25 =	vxor.u32 v23, v33;
	v23 =	vxor.u32 v32, v36;
	[tilespmem:s4+$0x630] =	vst v38  }
.LBB2_8:
0x128: {  	v30 =	vld.idx.msk [tilespmem:v12+s7+$0x10 ss:$0x1], $0xffff;
	s11 =	sadd.s32 $0x2, s11;
	[tilespmem:s4+$0x840] =	vst v29;
	v16 =	vxor.u32 v18, v16  }
0x129: {  	v18 =	vld.idx.msk [tilespmem:v12+s7+$0x0 ss:$0x1], $0xffff;
	p1 =	slt.u32 s11, s10;
	[tilespmem:s4+$0xA50] =	vst v28;
	v17 =	vxor.u32 v19, v17  }
0x12a: {  	v19 =	vld [tilespmem:s7+$0x210];
	[tilespmem:s4+$0xC60] =	vst v25;
	v14 =	vxor.u32 v20, v14  }
0x12b: {  	v20 =	vld [tilespmem:s7+$0x420];
	[tilespmem:s4+$0xE70] =	vst v26;
	v15 =	vxor.u32 v22, v15  }
0x12c: {  	v22 =	vld [tilespmem:s7+$0xE80];
	v13 =	vxor.u32 v27, v13;
	[tilespmem:s4+$0x10] =	vst v24  }
0x12d: {  	v24 =	vld [tilespmem:s7+$0x630];
	[tilespmem:s4+$0x0] =	vst v13  }
0x12e: {  	v13 =	vand.u32 v3, v30;
	v25 =	vld [tilespmem:s7+$0x840];
	[tilespmem:s4+$0x220] =	vst v23  }
0x12f: {  	v18 =	vand.u32 v3, v18;
	vm2 =	veq.s32 v13, $0x0;
	v23 =	vld [tilespmem:s7+$0xA50];
	[tilespmem:s4+$0x430] =	vst v21  }
0x130: {  	vm3 =	veq.s32 v18, $0x0;
	v27 =	vsel vm2, $0x0, v4;
	v18 =	vsel vm2, $0x0, v11;
	v21 =	vld [tilespmem:s7+$0xC60];
	[tilespmem:s4+$0x640] =	vst v16  }
0x131: {  	v13 =	vsel vm3, $0x0, v4;
	v28 =	vsel vm3, $0x0, v5;
	v26 =	vld [tilespmem:s7+$0xE70];
	v16 =	vxor.u32 v22, v18;
	[tilespmem:s4+$0x850] =	vst v17  }
0x132: {  	v29 =	vsel vm3, $0x0, v7;
	v30 =	vsel vm3, $0x0, v8;
	v22 =	vsel vm3, $0x0, v6;
	v31 =	vld [tilespmem:s7+$0x10];
	[tilespmem:s7+$0xE80] =	vst v16  }
0x133: {  	v32 =	vsel vm3, $0x0, v9;
	v33 =	vsel vm3, $0x0, v10;
	v34 =	vsel vm3, $0x0, v11;
	v35 =	vld [tilespmem:s7+$0x220];
	[tilespmem:s4+$0xA60] =	vst v14  }
0x134: {  	v37 =	vsel vm2, $0x0, v5;
	v38 =	vsel vm2, $0x0, v6;
	v16 =	vsel vm2, $0x0, v7;
	v36 =	vld [tilespmem:s7+$0x430];
	[tilespmem:s4+$0xC70] =	vst v15;
	s4 =	smov.u32 s7  }
.Ltmp7:
0x135: {  	v17 =	vsel vm2, $0x0, v8;
	v14 =	vsel vm2, $0x0, v9;
	v15 =	vsel vm2, $0x0, v10;
	v18 =	vld [tilespmem:s7+$0x640];
	(pc) =	sbr.rel @p1 .LBB2_8-.Ltmp7, $4  }
0x136: {  	v28 =	vxor.u32 v19, v28;
	v22 =	vxor.u32 v20, v22;
	v39 =	vxor.u32 v24, v29;
	v19 =	vld [tilespmem:s7+$0x850]  }
0x137: {  	v29 =	vxor.u32 v25, v30;
	v25 =	vxor.u32 v21, v33;
	[tilespmem:s7+$0x210] =	vst v28;
	v28 =	vxor.u32 v23, v32;
	v20 =	vld [tilespmem:s7+$0xA60]  }
0x138: {  	v26 =	vxor.u32 v26, v34;
	v24 =	vxor.u32 v31, v27;
	[tilespmem:s7+$0x420] =	vst v22;
	v22 =	vld [tilespmem:s7+$0xC70];
	v23 =	vxor.u32 v35, v37  }
0x139: {  	s7 =	sadd.s32 $0x20, s7;
	v27 =	vld [tilespmem:s4+$0x0];
	[tilespmem:s4+$0x630] =	vst v39;
	v21 =	vxor.u32 v36, v38  }
.LBB2_9:
0x13a: {  	[tilespmem:s4+$0x840] =	vst v29  }
0x13b: {  	[tilespmem:s4+$0xA50] =	vst v28  }
0x13c: {  	[tilespmem:s4+$0xC60] =	vst v25  }
0x13d: {  	[tilespmem:s4+$0xE70] =	vst v26  }
0x13e: {  	[tilespmem:s4+$0x10] =	vst v24  }
0x13f: {  	[tilespmem:s4+$0x220] =	vst v23  }
0x140: {  	[tilespmem:s4+$0x430] =	vst v21;
	v5 =	vxor.u32 v19, v17  }
0x141: {  	[tilespmem:s4+$0x850] =	vst v5;
	v5 =	vxor.u32 v22, v15  }
0x142: {  	v4 =	vxor.u32 v27, v13;
	[tilespmem:s4+$0xC70] =	vst v5  }
0x143: {  	[tilespmem:s4+$0x0] =	vst v4;
	v4 =	vxor.u32 v18, v16  }
0x144: {  	[tilespmem:s4+$0x640] =	vst v4;
	v4 =	vxor.u32 v20, v14  }
0x145: {  	[tilespmem:s4+$0xA60] =	vst v4  }
.LBB2_10:
0x146: {  	p0 =	sgt.u32 s10, $0x20  }
.Ltmp8:
0x147: {  	_ = 	snop;
	(pc) =	sbr.rel @p0 .LBB2_13-.Ltmp8, $1  }
0x148: {  	_ =	sdelay $0x3  }
0x149: {  	s4 =	sshll.u32 s6, $0x2  }
0x14a: {  	s4 =	sshra.s32 s4, $0x2  }
0x14b: {  	s0 =	sshll.u32 s13, $0x6;
	v12 =	vmov s4  }
0x14c: {  	s0 =	sand.u32 $0xFFFFFF80, s0  }
0x14d: {  	s1 =	sand.u32 $0xFFFFFFFE, s13;
	v4 =	vmov s28;
	v5 =	vmov s8;
	s0 =	sadd.s32 s26, s0  }
0x14e: {  	v6 =	vmov s9;
	v7 =	vmov s17;
	v8 =	vmov s21;
	s1 =	sadd.s32 s1, s5;
	s28 =	sshra.s32 s0, $0x2  }
0x14f: {  	v9 =	vmov s20;
	v10 =	vmov s12;
	v11 =	vmov s19;
	s0 =	sadd.s32 $0xFFFFFFFF, s1;
	s1 =	sadd.s32 $0x1310, s28  }
.LBB2_12:
0x150: {  	v13 =	vld.idx.msk [tilespmem:v12+s1+$0x0 ss:$0x1], $0xffff;
	_ =	sdelay $0x2  }
0x151: {  	v14 =	vld [tilespmem:s1+$0x0]  }
0x152: {  	v15 =	vld [tilespmem:s1+$0x210]  }
0x153: {  	v16 =	vld [tilespmem:s1+$0x420];
	v13 =	vand.u32 v3, v13  }
0x154: {  	v17 =	vld [tilespmem:s1+$0x630];
	vm2 =	veq.s32 v13, $0x0  }
0x155: {  	v13 =	vld [tilespmem:s1+$0x840];
	v18 =	vsel vm2, $0x0, v4  }
0x156: {  	v19 =	vld [tilespmem:s1+$0xA50];
	v62 =	vsel vm2, $0x0, v5;
	v14 =	vxor.u32 v14, v18  }
0x157: {  	v20 =	vld [tilespmem:s1+$0xC60];
	[tilespmem:s1+$0x0] =	vst v14;
	v14 =	vxor.u32 v15, v62;
	v15 =	vsel vm2, $0x0, v6  }
0x158: {  	v63 =	vld [tilespmem:s1+$0xE70];
	s0 =	sadd.s32 $0x1, s0;
	[tilespmem:s1+$0x210] =	vst v14;
	v14 =	vxor.u32 v16, v15;
	v15 =	vsel vm2, $0x0, v7  }
0x159: {  	p0 =	slt.u32 s0, $0x20;
	[tilespmem:s1+$0x420] =	vst v14;
	v14 =	vxor.u32 v17, v15;
	v15 =	vsel vm2, $0x0, v8  }
.Ltmp9:
0x15a: {  	[tilespmem:s1+$0x630] =	vst v14;
	v13 =	vxor.u32 v13, v15;
	v14 =	vsel vm2, $0x0, v9;
	(pc) =	sbr.rel @p0 .LBB2_12-.Ltmp9, $4  }
0x15b: {  	[tilespmem:s1+$0x840] =	vst v13;
	v13 =	vxor.u32 v19, v14;
	v14 =	vsel vm2, $0x0, v10  }
0x15c: {  	[tilespmem:s1+$0xA50] =	vst v13;
	v13 =	vxor.u32 v20, v14;
	v14 =	vsel vm2, $0x0, v11  }
0x15d: {  	[tilespmem:s1+$0xC60] =	vst v13;
	v13 =	vxor.u32 v63, v14  }
0x15e: {  	[tilespmem:s1+$0xE70] =	vst v13;
	s1 =	sadd.s32 $0x10, s1  }
.Ltmp10:
0x15f: {  	_ = 	snop;
	(pc) =	sbr.rel .LBB2_13-.Ltmp10, $1  }
0x160: {  	_ =	sdelay $0x3  }
.LBB2_14:
0x161: {  	v5 =	vld.msk [tilespmem:$0x1510 ss:$0x0], $0xffff  }
0x162: {  	v7 =	vld.msk [tilespmem:$0x1720 ss:$0x0], $0xffff  }
0x163: {  	v9 =	vld.msk [tilespmem:$0x1930 ss:$0x0], $0xffff  }
0x164: {  	v10 =	vld.msk [tilespmem:$0x1B40 ss:$0x0], $0xffff  }
0x165: {  	v8 =	vld.msk [tilespmem:$0x1D50 ss:$0x0], $0xffff  }
0x166: {  	v6 =	vld.msk [tilespmem:$0x1F60 ss:$0x0], $0xffff  }
0x167: {  	v3 =	vld.msk [tilespmem:$0x2170 ss:$0x0], $0xffff  }
0x168: {  	s2 =	simm.s32 $0x1B50;
	v4 =	vld.msk [tilespmem:$0x2380 ss:$0x0], $0xffff  }
0x169: {  	v11 =	vld [tilespmem:s2+$0xFFFFF7D0]  }
0x16a: {  	v12 =	vld [tilespmem:s2+$0xFFFFF9E0]  }
0x16b: {  	v13 =	vld [tilespmem:s2+$0xFFFFFBF0]  }
0x16c: {  	v14 =	vld [tilespmem:s2+$0xFFFFFE00]  }
0x16d: {  	v15 =	vld [tilespmem:s2+$0x10]  }
0x16e: {  	v16 =	vld [tilespmem:s2+$0x220]  }
0x16f: {  	v17 =	vld [tilespmem:s2+$0x430];
	v11 =	vand.u32 v5, v11;
	v12 =	vand.u32 v7, v12  }
0x170: {  	v11 =	vor.u32 v11, v12;
	v12 =	vand.u32 v9, v13;
	v13 =	vld [tilespmem:s2+$0x640]  }
0x171: {  	s0 =	simm.s32 $0x23A0;
	v18 =	vld [tilespmem:s2+$0xFFFFF9D0];
	v11 =	vor.u32 v12, v11;
	v12 =	vand.u32 v10, v14  }
0x172: {  	v14 =	vld [tilespmem:s0+$0x0];
	v11 =	vor.u32 v12, v11;
	v12 =	vand.u32 v8, v15  }
0x173: {  	v15 =	vld [tilespmem:s2+$0xFFFFF7C0];
	v11 =	vor.u32 v12, v11;
	v12 =	vand.u32 v6, v16  }
0x174: {  	v16 =	vld [tilespmem:s2+$0xFFFFFBE0];
	v11 =	vor.u32 v12, v11;
	v12 =	vand.u32 v3, v17  }
0x175: {  	v17 =	vld [tilespmem:s2+$0xFFFFFDF0];
	v11 =	vor.u32 v12, v11;
	v13 =	vand.u32 v4, v13  }
0x176: {  	v12 =	vld [tilespmem:s2+$0x0];
	v13 =	vor.u32 v13, v11  }
0x177: {  	v11 =	vld [tilespmem:s2+$0x210];
	vm3 =	vne.s32 v14, $0x0;
	vm2 =	vne.s32 v13, $0x0  }
0x178: {  	v14 =	vand.u32 v7, v18;
	v15 =	vand.u32 v5, v15;
	v13 =	vld [tilespmem:s2+$0x420];
	vm2 =	vmand vm3, vm2  }
0x179: {  	s1 =	simm.s32 $0x25B0;
	v15 =	vor.u32 v15, v14;
	v16 =	vand.u32 v9, v16;
	v14 =	vld [tilespmem:s2+$0x630];
	v18 =	vsel vm2, $0x1, v2  }
0x17a: {  	s3 =	simm.s32 $0x1B70;
	s2 =	simm.s32 $0x0;
	v16 =	vor.u32 v16, v15;
	v17 =	vand.u32 v10, v17;
	v15 =	vld [tilespmem:s0+$0xFFFFFFF0];
	[tilespmem:s1+$0x0] =	vst v18  }
.LBB2_15:
0x17b: {  	v18 =	vld [tilespmem:s3+$0xFFFFF7D0];
	v16 =	vor.u32 v17, v16;
	v12 =	vand.u32 v8, v12  }
0x17c: {  	s2 =	sadd.s32 $0x2, s2;
	v17 =	vld [tilespmem:s3+$0xFFFFF9E0];
	v12 =	vor.u32 v12, v16;
	v11 =	vand.u32 v6, v11  }
0x17d: {  	p1 =	slt.u32 s2, $0x1E;
	v16 =	vld [tilespmem:s3+$0xFFFFFBF0];
	v11 =	vor.u32 v11, v12;
	v12 =	vand.u32 v3, v13  }
0x17e: {  	v13 =	vld [tilespmem:s3+$0xFFFFFE00];
	v11 =	vor.u32 v12, v11;
	v12 =	vand.u32 v4, v14  }
0x17f: {  	v14 =	vld [tilespmem:s3+$0x10];
	v11 =	vor.u32 v12, v11;
	vm2 =	vne.s32 v15, $0x0  }
0x180: {  	v12 =	vld [tilespmem:s3+$0x220];
	vm3 =	vne.s32 v11, $0x0  }
0x181: {  	v11 =	vand.u32 v5, v18;
	v15 =	vand.u32 v7, v17;
	v17 =	vld [tilespmem:s3+$0x430];
	vm2 =	vmand vm2, vm3  }
0x182: {  	v11 =	vor.u32 v11, v15;
	v15 =	vand.u32 v9, v16;
	v16 =	vld [tilespmem:s3+$0x640];
	v18 =	vsel vm2, $0x1, v2  }
0x183: {  	s0 =	sadd.s32 $0x20, s0;
	v19 =	vld [tilespmem:s3+$0xFFFFF9D0];
	v11 =	vor.u32 v15, v11;
	v13 =	vand.u32 v10, v13;
	[tilespmem:s1+$0xFFFFFFF0] =	vst v18  }
0x184: {  	v11 =	vor.u32 v13, v11;
	v13 =	vand.u32 v8, v14;
	v14 =	vld [tilespmem:s0+$0x0]  }
0x185: {  	v15 =	vld [tilespmem:s3+$0xFFFFF7C0];
	v11 =	vor.u32 v13, v11;
	v12 =	vand.u32 v6, v12  }
0x186: {  	v18 =	vld [tilespmem:s3+$0xFFFFFBE0];
	v11 =	vor.u32 v12, v11;
	v12 =	vand.u32 v3, v17  }
0x187: {  	v17 =	vld [tilespmem:s3+$0xFFFFFDF0];
	v11 =	vor.u32 v12, v11;
	v13 =	vand.u32 v4, v16  }
.Ltmp11:
0x188: {  	v16 =	vand.u32 v7, v19;
	v12 =	vld [tilespmem:s3+$0x0];
	v13 =	vor.u32 v13, v11;
	(pc) =	sbr.rel @p1 .LBB2_15-.Ltmp11, $4  }
0x189: {  	v11 =	vld [tilespmem:s3+$0x210];
	vm2 =	vne.s32 v13, $0x0;
	vm3 =	vne.s32 v14, $0x0  }
0x18a: {  	v14 =	vand.u32 v5, v15;
	v13 =	vld [tilespmem:s3+$0x420];
	vm2 =	vmand vm3, vm2  }
0x18b: {  	s1 =	sadd.s32 $0x20, s1;
	v15 =	vor.u32 v14, v16;
	v16 =	vand.u32 v9, v18;
	v14 =	vld [tilespmem:s3+$0x630];
	v18 =	vsel vm2, $0x1, v2  }
0x18c: {  	s3 =	sadd.s32 $0x20, s3;
	v16 =	vor.u32 v16, v15;
	v17 =	vand.u32 v10, v17;
	v15 =	vld [tilespmem:s0+$0xFFFFFFF0];
	[tilespmem:s1+$0x0] =	vst v18  }
0x18d: {  	v5 =	vor.u32 v17, v16;
	v7 =	vand.u32 v8, v12  }
0x18e: {  	v5 =	vor.u32 v7, v5;
	v6 =	vand.u32 v6, v11  }
0x18f: {  	v5 =	vor.u32 v6, v5;
	v3 =	vand.u32 v3, v13  }
0x190: {  	v3 =	vor.u32 v3, v5;
	v4 =	vand.u32 v4, v14  }
0x191: {  	v3 =	vor.u32 v4, v3  }
0x192: {  	vm2 =	vne.s32 v15, $0x0;
	vm3 =	vne.s32 v3, $0x0  }
0x193: {  	vm2 =	vmand vm2, vm3  }
0x194: {  	v3 =	vsel vm2, $0x1, v2  }
0x195: {  	[tilespmem:s1+$0xFFFFFFF0] =	vst v3  }
0x196: {  	v3 =	vld [tilespmem:$0x1300];
	_ =	sdelay $0x3  }
0x197: {  	s0 =	simm.s32 $0x10  }
0x198: {  	v4 =	vld [tilespmem:s0+$0x0];
	v3 =	vnsel vm1, $0x0, v3  }
0x199: {  	(xrf0) =	vadd.scan.msk.s32 $0xffff, v3;
	v3 =	vld [tilespmem:s0+$0xFFFFFFF0];
	_ =	sdelay $0x2  }
0x19a: {  	s30 =	simm.s32 $0x29B0  }
0x19b: {  	s31 =	simm.s32 $0x30;
	v5 =	vld [tilespmem:s30+$0x0]  }
0x19c: {  	v7 =	vld [tilespmem:s31+$0x0]  }
0x19d: {  	v9 =	vld [tilespmem:s30+$0xFFFFFFF0];
	v6, _, _ =	vpop (xrf0)  }
0x19e: {  	vm2 =	veq.s32 v6, $0x0;
	v6 =	vld.idx.msk [tilespmem:v4+s18+$0x0], $0xffff  }
0x19f: {  	v4 =	vsel vm2, $0x1, v2;
	v8 =	vld.idx.msk [tilespmem:v3+s18+$0x0], $0xffff  }
0x1a0: {  	v3 =	vbroadcast v4, $0xF;
	v4 =	vld [tilespmem:s31+$0xFFFFFFF0];
	_ =	sdelay $0x1  }
0x1a1: {  	v3 =	vand.u32 $0x1, v3  }
0x1a2: {  	s1 =	simm.s32 $0x29D0;
	vm2 =	veq.s32 v3, $0x1  }
0x1a3: {  	s0 =	simm.s32 $0x27B0;
	v3 =	vld [tilespmem:s1+$0x0];
	v5 =	vsel vm2, v6, v5  }
0x1a4: {  	s2 =	simm.s32 $0x2;
	s3 =	simm.s32 $0x50;
	s6 =	simm.s32 $0x0;
	v6 =	vsel vm2, v8, v9;
	[tilespmem:s0+$0x0] =	vst v5;
	v5 =	vld.idx.msk [tilespmem:v7+s18+$0x0], $0xffff  }
.LBB2_17:
0x1a5: {  	v7 =	vld [tilespmem:s3+$0x0];
	s2 =	sadd.s32 $0x2, s2;
	[tilespmem:s0+$0xFFFFFFF0] =	vst v6  }
0x1a6: {  	v6 =	vld [tilespmem:s3+$0xFFFFFFF0];
	p0 =	slt.u32 s2, $0x1E  }
0x1a7: {  	v8 =	vld.idx.msk [tilespmem:v4+s18+$0x0], $0xffff  }
0x1a8: {  	v9 =	vld [tilespmem:s1+$0xFFFFFFF0]  }
.Ltmp12:
0x1a9: {  	(pc) =	sbr.rel @p0 .LBB2_17-.Ltmp12, $4  }
0x1aa: {  	s0 =	sadd.s32 $0x20, s0;
	v3 =	vsel vm2, v5, v3  }
0x1ab: {  	s1 =	sadd.s32 $0x20, s1;
	[tilespmem:s0+$0x0] =	vst v3;
	v4 =	vmov v6  }
0x1ac: {  	v3 =	vld [tilespmem:s1+$0x0]  }
0x1ad: {  	s3 =	sadd.s32 $0x20, s3;
	v5 =	vld.idx.msk [tilespmem:v7+s18+$0x0], $0xffff;
	v6 =	vsel vm2, v8, v9  }
0x1ae: {  	_ =	sdelay $0x3  }
0x1af: {  	v4 =	vld.idx.msk [tilespmem:v4+s18+$0x0], $0xffff  }
0x1b0: {  	v7 =	vld [tilespmem:s1+$0xFFFFFFF0];
	_ =	sdelay $0x3  }
0x1b1: {  	[tilespmem:s0+$0xFFFFFFF0] =	vst v6;
	s26 =	sadd.s32 $0x20, s0;
	v3 =	vsel vm2, v5, v3  }
0x1b2: {  	[tilespmem:s26+$0x0] =	vst v3;
	v3 =	vsel vm2, v4, v7  }
0x1b3: {  	[tilespmem:s26+$0xFFFFFFF0] =	vst v3  }
0x1b4: {  	s28 =	simm.s32 $0x27A0;
	s3 =	simm.s32 $0x1;
	s0 =	rddreg [dreg:$0x7]  }
0x1b5: {  	[hbm4b:s0+s6] =	stream.linear.scatter [tilespmem:s28], [sflag:$0x1], $0x200, $0x38;
	[tilespmem:$0x2BB0] =	vst v63  }
0x1b6: {  	_ =	swait.ge [sflag:s3], $0x200  }
0x1b7: {  	s29 =	sld [smem:$0x7FD];
	_ =	sdelay $0x1  }
0x1b8: {  	[sflag:s3] =	ssyncset.done $0x0  }
0x1b9: {  	[sflag:s3] =	ssyncadd.s32 $0xFFFFFE00;
	p1 =	seq.s32 s29, $0x1  }
0x1ba: {  	v3 =	vld @!p1 [tilespmem:$0x1300];
	_ =	sdelay $0x4  }
0x1bb: {  	vm2 =	veq.s32 @!p1 v3, $0x0;
	v3 =	vimm.s32 @!p1 $0x0  }
0x1bc: {  	v3 =	vsel @!p1 vm2, $0x1, v3  }
0x1bd: {  	v3 =	vor.u32 @!p1 $0x80000000, v3  }
0x1be: {  	(xrf0) =	vmax.scan.msk.u32 @!p1 $0xffff, v3;
	_ =	sdelay $0x5  }
0x1bf: {  	v3, _, _ =	vpop @!p1 (xrf0)  }
0x1c0: {  	(v2sf) =	vpush @!p1 v3, $0xF;
	_ =	sdelay $0xe  }
0x1c1: {  	s0 =	spop @!p1 (v2sf)  }
0x1c2: {  	p0 =	sgt.u32 @!p1 s0, $0x80000000  }
0x1c3: {  	p0 =	por !p0, p1  }
0x1c4: {  	s4 =	simm.s32 @p0 $0x0  }
0x1c5: {  	v3 =	vmov @!p1 s4  }
0x1c6: {  	s2 =	rddreg [dreg:$0x2];
	s1 =	simm.s32 @!p1 $0x2BA0;
	s0 =	simm.s32 @!p1 $0x0;
	[tilespmem:$0x2BA0] =	vst @!p1 v3  }
0x1c7: {  	[hbm4b:s2+s0] =	stream.linear.scatter @!p1 [tilespmem:s1], [sflag:$0x1], $0x10, $0x38;
	[tilespmem:$0x2BB0] =	vst v63  }
0x1c8: {  	s0 =	simm.s32 @!p1 $0x1  }
0x1c9: {  	_ =	swait.ge @!p1 [sflag:s0], $0x10  }
0x1ca: {  	s30 =	rddreg [dreg:$0xa]  }
0x1cb: {  	s31 =	rddreg [dreg:$0x9];
	s2 =	sadd.s32 $0x1, s30  }
0x1cc: {  	p0 =	sne.s32 s2, s31  }
.Ltmp13:
0x1cd: {  	_ = 	snop;
	(pc) =	sbr.rel @p0 .LBB2_2-.Ltmp13, $3  }
0x1ce: {  	_ =	sdelay $0x1  }
0x1cf: {  	[sflag:s0] =	ssyncset.done @!p1 $0x0  }
0x1d0: {  	[sflag:s0] =	ssyncadd.s32 @!p1 $0xFFFFFFF0  }
.LBB2_19:
0x1d1: {  	_ =	sfence.sel $0x180000  }
0x1d2: {  	[bflag:$0x0] =	sbarrier.arrive $0xFFFF  }
0x1d3: {  	_ =	strace $0x90000047  }
0x1d4: {  	s0 =	stileid.u32;
	[bflag:$0x2] =	sbarrier.arrive $0xFFFF  }
0x1d5: {  	p0 =	sne.s32 s0, $0x0;
	s0 =	rddreg [dreg:$0x3]  }
0x1d6: {  	s0 =	sadd.s32 @!p0 $0x100000, s0  }
0x1d7: {  	[sflag:s0] =	ssyncadd.tile.s32 @!p0 $0x1;
	_ =	shalt  }
.Lfunc_end2:
_tile_overlayer_lowered:
.L_overlay_start_2:
0x1d8: {  	(tag) =	ssettag $0x2  }
0x1d9: {  	s0 =	rddreg [dreg:$0x0];
	s2 =	stileid.u32  }
0x1da: {  	s1 =	rddreg [dreg:$0x1];
	p0 =	sne.s32 s2, $0x0  }
0x1db: {  	s3 =	rddreg [dreg:$0x2];
	[bflag:$0x3] =	sbarrier.arrive $0xFFFF;
	s2 =	simm.s32 @!p0 $0x1C01  }
0x1dc: {  	[timem:s3], [sflag:s2] =	dma.local @!p0 [hbm:s0], s1  }
0x1dd: {  	s0 =	simm.s32 @!p0 $0x1  }
0x1de: {  	_ =	swait.ge @!p0 [sflag:s0], s1  }
0x1df: {  	s1 =	ssub.s32 @!p0 $0x0, s1;
	[sflag:s0] =	ssyncset.done @!p0 $0x0  }
0x1e0: {  	[sflag:s0] =	ssyncadd.s32 @!p0 s1  }
0x1e1: {  	[bflag:$0x3] =	sbarrier.arrive $0xFFFF  }
0x1e2: {  	_ =	shalt  }

</sc_bundles>
